<compile_context>
chip_gen: v7x
topology: tpu7x:2x2x1
jax: 0.10.2.dev20260603
libtpu: 0.0.44.dev20260713+nightly
codegen_flags: <defaults>
</compile_context>

<pallas_src>
import functools

import numpy as np
import jax
import jax.numpy as jnp
from jax import lax
from jax.experimental import pallas as pl
from jax.experimental.pallas import tpu as pltpu
from jax.experimental.pallas import tpu_sc as plsc

_LANES = 16
_HALF = 112

_PERM_CACHE = {}


def _full_index(B, N):
    key = (B, N)
    if key not in _PERM_CACHE:
        cpu = jax.local_devices(backend="cpu")[0]
        with jax.default_device(cpu), jax.ensure_compile_time_eval():
            r = np.asarray(jax.random.permutation(jax.random.key(42), N))
        idx = (np.arange(B, dtype=np.int64)[:, None] * N + r[None, :]).reshape(-1)
        _PERM_CACHE[key] = idx.astype(np.int32)
    return _PERM_CACHE[key]


def _copy_rows(src_ref, dst_ref, k, n_rows, width):

    def body(r, carry):
        for c in range(width // _LANES):
            dst_ref[k, r, pl.ds(c * _LANES, _LANES)] = src_ref[
                k, r, pl.ds(c * _LANES, _LANES)
            ]
        return carry

    lax.fori_loop(0, n_rows, body, 0)


@functools.lru_cache(maxsize=None)
def _make_shuffle(B, H, W, C):
    info = plsc.get_sparse_core_info()
    NW = info.num_cores * info.num_subcores
    R = B * H * W
    slabs = NW // B
    npl = H // slabs
    assert W == 2 * _HALF

    mesh = plsc.VectorSubcoreMesh(core_axis_name="c", subcore_axis_name="s")

    @functools.partial(
        pl.kernel,
        mesh=mesh,
        out_type=(
            jax.ShapeDtypeStruct((B, H, W, C), jnp.float32),
            jax.ShapeDtypeStruct((R, 128), jnp.float32),
        ),
        scratch_types=[
            pltpu.VMEM((2, W, C), jnp.float32),
            pltpu.VMEM((2, W, 128), jnp.float32),
            pltpu.VMEM((4, _HALF), jnp.int32),
        ]
        + [pltpu.SemaphoreType.DMA] * 8,
    )
    def shuffle(
        x_hbm, idx_hbm, out_hbm, xp_hbm, b96, b128, idxb,
        sin0, sin1, sout0, sout1, sg0, sg1, si0, si1,
    ):
        sin = (sin0, sin1)
        sout = (sout0, sout1)
        sg = (sg0, sg1)
        si = (si0, si1)
        cid = lax.axis_index("c")
        sid = lax.axis_index("s")
        b = cid * (B // 2) + sid // slabs
        h0 = (sid % slabs) * npl
        kidx = b * slabs + sid % slabs

        def start_in(k, p):
            pltpu.async_copy(x_hbm.at[b, h0 + p], b96.at[k], sin[k])

        def wait_in(k):
            pltpu.make_async_copy(x_hbm.at[b, h0], b96.at[k], sin[k]).wait()

        def start_out(k, p):
            pltpu.async_copy(
                b128.at[k], xp_hbm.at[pl.ds((b * H + h0 + p) * W, W)], sout[k]
            )

        def wait_out(k):
            pltpu.make_async_copy(
                b128.at[k], xp_hbm.at[pl.ds(b * H * W, W)], sout[k]
            ).wait()

        start_in(0, 0)
        start_in(1, 1)

        def repack(g, carry):
            for k in range(2):
                p = 2 * g + k
                wait_in(k)

                @pl.when(p >= 2)
                def _():
                    wait_out(k)

                _copy_rows(b96, b128, k, W, C)
                start_out(k, p)

                @pl.when(p + 2 < npl)
                def _():
                    start_in(k, p + 2)

            return carry

        lax.fori_loop(0, npl // 2, repack, 0)
        wait_out(0)
        wait_out(1)
        plsc.subcore_barrier()

        def start_idx(k, p):
            pltpu.async_copy(idx_hbm.at[kidx, p], idxb.at[pl.ds(2 * k, 2)], si[k])

        def wait_idx(k):
            pltpu.make_async_copy(
                idx_hbm.at[kidx, 0], idxb.at[pl.ds(2 * k, 2)], si[k]
            ).wait()

        def start_g(k):
            pltpu.async_copy(
                xp_hbm.at[idxb.at[2 * k]], b128.at[k].at[pl.ds(0, _HALF)], sg[k]
            )
            pltpu.async_copy(
                xp_hbm.at[idxb.at[2 * k + 1]], b128.at[k].at[pl.ds(_HALF, _HALF)], sg[k]
            )

        def wait_g(k):
            for _ in range(2):
                pltpu.make_async_copy(
                    xp_hbm.at[idxb.at[2 * k]], b128.at[k].at[pl.ds(0, _HALF)], sg[k]
                ).wait()

        def start_o96(k, p):
            pltpu.async_copy(b96.at[k], out_hbm.at[b, h0 + p], sout[k])

        def wait_o96(k):
            pltpu.make_async_copy(b96.at[k], out_hbm.at[b, h0], sout[k]).wait()

        start_idx(0, 0)
        start_idx(1, 1)
        wait_idx(0)
        start_g(0)

        def gather(g, carry):
            for k in range(2):
                p = 2 * g + k

                @pl.when(p + 1 < npl)
                def _():
                    wait_idx(1 - k)
                    start_g(1 - k)

                wait_g(k)

                @pl.when(p >= 2)
                def _():
                    wait_o96(k)

                _copy_rows(b128, b96, k, W, C)
                start_o96(k, p)

                @pl.when(p + 2 < npl)
                def _():
                    start_idx(k, p + 2)

            return carry

        lax.fori_loop(0, npl // 2, gather, 0)
        wait_o96(0)
        wait_o96(1)

    return shuffle


def kernel(x):
    B, H, W, C = x.shape
    N = H * W
    idx = jnp.asarray(_full_index(B, N).reshape(32, -1, 2, _HALF))
    out, _ = _make_shuffle(B, H, W, C)(x, idx)
    return out

# --- scband reference (transcript-rebuilt; emitter-appended) ---
"""Pipeline reference for scband-shuffle-15616501088667 (READ-ONLY COPY).

The authoritative reference and input builder live on the scoring server;
editing this copy changes nothing except your own understanding.
"""

import jax, jax.numpy as jnp
import numpy as np


def setup_inputs(seed: int = 0) -> dict:
    key = jax.random.key(seed)
    x = jax.random.normal(key, (8, 224, 224, 96), dtype=jnp.float32)
    return {"x": x}


def reference(x):
    # Shuffle.forward in training mode: random permutation of the H*W spatial
    # positions, shared across batch and channels.
    B, H, W, C = x.shape
    # torch.randperm(H*W) -> deterministic jax permutation with a fixed key
    r = jax.random.permutation(jax.random.key(42), H * W)
    x = x.reshape(B, -1, C)[:, r, :].reshape(B, H, W, C)
    return x

if __name__ == "__main__":
    import jax
    _d = setup_inputs()
    print(jax.jit(kernel)(*tuple(_d.values())))

</pallas_src>

<mosaic_0001>
#map = affine_map<(d0, d1) -> (0, 0, 0, 0)>
#map1 = affine_map<(d0, d1) -> (0, 0)>
module attributes {stable_mosaic.version = 14 : i64} {
  func.func @shuffle(%arg0: i32, %arg1: i32, %arg2: memref<8x224x224x96xf32, #tpu.memory_space<hbm>>, %arg3: memref<32x56x2x112xi32, #tpu.memory_space<hbm>>, %arg4: memref<8x224x224x96xf32, #tpu.memory_space<hbm>>, %arg5: memref<401408x128xf32, #tpu.memory_space<hbm>>, %arg6: memref<2x224x96xf32, #tpu.memory_space<vmem>>, %arg7: memref<2x224x128xf32, #tpu.memory_space<vmem>>, %arg8: memref<4x112xi32, #tpu.memory_space<vmem>>, %arg9: memref<!tpu.dma_semaphore, #tpu.memory_space<semaphore_mem>>, %arg10: memref<!tpu.dma_semaphore, #tpu.memory_space<semaphore_mem>>, %arg11: memref<!tpu.dma_semaphore, #tpu.memory_space<semaphore_mem>>, %arg12: memref<!tpu.dma_semaphore, #tpu.memory_space<semaphore_mem>>, %arg13: memref<!tpu.dma_semaphore, #tpu.memory_space<semaphore_mem>>, %arg14: memref<!tpu.dma_semaphore, #tpu.memory_space<semaphore_mem>>, %arg15: memref<!tpu.dma_semaphore, #tpu.memory_space<semaphore_mem>>, %arg16: memref<!tpu.dma_semaphore, #tpu.memory_space<semaphore_mem>>) attributes {dimension_semantics = [#tpu.dimension_semantics<core_parallel>, #tpu.dimension_semantics<subcore_parallel>], iteration_bounds = array<i64: 2, 16>, scalar_prefetch = 0 : i64, scratch_operands = 11 : i64, tpu.core_type = #tpu.core_type<sc_vector_subcore>, window_params = [{transform_indices = #map}, {transform_indices = #map}, {transform_indices = #map}, {transform_indices = #map1}]} {
    %mul3A = arith.constant 4 : i32
    %mul3A_0 = arith.muli %arg0, %mul3A : i32
    %jit3A = arith.constant 4 : i32
    %div3A = arith.divsi %arg1, %jit3A : i32
    %sign3A = arith.constant 0 : i32
    %sign3A_1 = arith.cmpi sgt, %arg1, %sign3A : i32
    %sign3A_2 = arith.extui %sign3A_1 : i1 to i32
    %sign3A_3 = arith.constant 0 : i32
    %sign3A_4 = arith.cmpi slt, %arg1, %sign3A_3 : i32
    %sign3A_5 = arith.extui %sign3A_4 : i1 to i32
    %sign3A_6 = arith.subi %sign3A_2, %sign3A_5 : i32
    %sign3A_7 = arith.constant 0 : i32
    %sign3A_8 = arith.cmpi sgt, %jit3A, %sign3A_7 : i32
    %sign3A_9 = arith.extui %sign3A_8 : i1 to i32
    %sign3A_10 = arith.constant 0 : i32
    %sign3A_11 = arith.cmpi slt, %jit3A, %sign3A_10 : i32
    %sign3A_12 = arith.extui %sign3A_11 : i1 to i32
    %sign3A_13 = arith.subi %sign3A_9, %sign3A_12 : i32
    %ne3A = arith.cmpi ne, %sign3A_6, %sign3A_13 : i32
    %rem3A = arith.remsi %arg1, %jit3A : i32
    %ne3A_14 = arith.constant 0 : i32
    %ne3A_15 = arith.cmpi ne, %rem3A, %ne3A_14 : i32
    %and3A = arith.andi %ne3A, %ne3A_15 : i1
    %sub3A = arith.constant 1 : i32
    %sub3A_16 = arith.subi %div3A, %sub3A : i32
    %select_n3A = arith.select %and3A, %sub3A_16, %div3A : i32
    %add3A = arith.addi %mul3A_0, %select_n3A : i32
    %jit3A_17 = arith.constant 4 : i32
    %eq3A = arith.constant 0 : i32
    %eq3A_18 = arith.cmpi eq, %jit3A_17, %eq3A : i32
    %jit3A_19 = arith.constant 1 : i32
    %select_n3A_20 = arith.select %eq3A_18, %jit3A_19, %jit3A_17 : i32
    %rem3A_21 = arith.remsi %arg1, %select_n3A_20 : i32
    %ne3A_22 = arith.constant 0 : i32
    %ne3A_23 = arith.cmpi ne, %rem3A_21, %ne3A_22 : i32
    %lt3A = arith.constant 0 : i32
    %lt3A_24 = arith.cmpi slt, %rem3A_21, %lt3A : i32
    %lt3A_25 = arith.constant 0 : i32
    %lt3A_26 = arith.cmpi slt, %select_n3A_20, %lt3A_25 : i32
    %ne3A_27 = arith.xori %lt3A_24, %lt3A_26 : i1
    %and3A_28 = arith.andi %ne3A_27, %ne3A_23 : i1
    %add3A_29 = arith.addi %rem3A_21, %select_n3A_20 : i32
    %select_n3A_30 = arith.select %and3A_28, %add3A_29, %rem3A_21 : i32
    %mul3A_31 = arith.constant 56 : i32
    %mul3A_32 = arith.muli %select_n3A_30, %mul3A_31 : i32
    %mul3A_33 = arith.constant 4 : i32
    %mul3A_34 = arith.muli %add3A, %mul3A_33 : i32
    %jit3A_35 = arith.constant 4 : i32
    %eq3A_36 = arith.constant 0 : i32
    %eq3A_37 = arith.cmpi eq, %jit3A_35, %eq3A_36 : i32
    %jit3A_38 = arith.constant 1 : i32
    %select_n3A_39 = arith.select %eq3A_37, %jit3A_38, %jit3A_35 : i32
    %rem3A_40 = arith.remsi %arg1, %select_n3A_39 : i32
    %ne3A_41 = arith.constant 0 : i32
    %ne3A_42 = arith.cmpi ne, %rem3A_40, %ne3A_41 : i32
    %lt3A_43 = arith.constant 0 : i32
    %lt3A_44 = arith.cmpi slt, %rem3A_40, %lt3A_43 : i32
    %lt3A_45 = arith.constant 0 : i32
    %lt3A_46 = arith.cmpi slt, %select_n3A_39, %lt3A_45 : i32
    %ne3A_47 = arith.xori %lt3A_44, %lt3A_46 : i1
    %and3A_48 = arith.andi %ne3A_47, %ne3A_42 : i1
    %add3A_49 = arith.addi %rem3A_40, %select_n3A_39 : i32
    %select_n3A_50 = arith.select %and3A_48, %add3A_49, %rem3A_40 : i32
    %add3A_51 = arith.addi %mul3A_34, %select_n3A_50 : i32
    %add3A_52 = arith.constant 0 : i32
    %add3A_53 = arith.addi %mul3A_32, %add3A_52 : i32
    %dma_start3A = arith.constant 0 : i32
    %dma_start3A_54 = arith.constant 0 : i32
    %dma_start3A_55 = arith.constant 0 : i32
    %dma_start3A_56 = tpu.memref_slice %arg6[%dma_start3A, %dma_start3A_54, %dma_start3A_55] : memref<2x224x96xf32, #tpu.memory_space<vmem>> -> memref<1x224x96xf32, #tpu.memory_space<vmem>>
    %dma_start3A_57 = tpu.memref_squeeze %dma_start3A_56 : memref<1x224x96xf32, #tpu.memory_space<vmem>> -> memref<224x96xf32, #tpu.memory_space<vmem>>
    %dma_start3A_58 = arith.constant 0 : i32
    %dma_start3A_59 = arith.constant 0 : i32
    %dma_start3A_60 = tpu.memref_slice %arg2[%add3A, %add3A_53, %dma_start3A_58, %dma_start3A_59] : memref<8x224x224x96xf32, #tpu.memory_space<hbm>> -> memref<1x1x224x96xf32, #tpu.memory_space<hbm>>
    %dma_start3A_61 = tpu.memref_squeeze %dma_start3A_60 : memref<1x1x224x96xf32, #tpu.memory_space<hbm>> -> memref<224x96xf32, #tpu.memory_space<hbm>>
    %dma_start3A_62 = arith.constant 0 : i32
    %dma_start3A_63 = arith.constant 0 : i32
    %dma_start3A_64 = tpu.memref_slice %arg6[%dma_start3A, %dma_start3A_62, %dma_start3A_63] : memref<2x224x96xf32, #tpu.memory_space<vmem>> -> memref<1x224x96xf32, #tpu.memory_space<vmem>>
    %dma_start3A_65 = tpu.memref_squeeze %dma_start3A_64 : memref<1x224x96xf32, #tpu.memory_space<vmem>> -> memref<224x96xf32, #tpu.memory_space<vmem>>
    %dma_start3A_66 = arith.constant 0 : i32
    %dma_start3A_67 = arith.constant 0 : i32
    %dma_start3A_68 = tpu.memref_slice %arg2[%add3A, %add3A_53, %dma_start3A_66, %dma_start3A_67] : memref<8x224x224x96xf32, #tpu.memory_space<hbm>> -> memref<1x1x224x96xf32, #tpu.memory_space<hbm>>
    %dma_start3A_69 = tpu.memref_squeeze %dma_start3A_68 : memref<1x1x224x96xf32, #tpu.memory_space<hbm>> -> memref<224x96xf32, #tpu.memory_space<hbm>>
    tpu.enqueue_dma source(%dma_start3A_69 : memref<224x96xf32, #tpu.memory_space<hbm>>) target(%dma_start3A_65 : memref<224x96xf32, #tpu.memory_space<vmem>>) target_semaphore(%arg9 : memref<!tpu.dma_semaphore, #tpu.memory_space<semaphore_mem>>)
    %add3A_70 = arith.constant 1 : i32
    %add3A_71 = arith.addi %mul3A_32, %add3A_70 : i32
    %dma_start3A_72 = arith.constant 1 : i32
    %dma_start3A_73 = arith.constant 0 : i32
    %dma_start3A_74 = arith.constant 0 : i32
    %dma_start3A_75 = tpu.memref_slice %arg6[%dma_start3A_72, %dma_start3A_73, %dma_start3A_74] : memref<2x224x96xf32, #tpu.memory_space<vmem>> -> memref<1x224x96xf32, #tpu.memory_space<vmem>>
    %dma_start3A_76 = tpu.memref_squeeze %dma_start3A_75 : memref<1x224x96xf32, #tpu.memory_space<vmem>> -> memref<224x96xf32, #tpu.memory_space<vmem>>
    %dma_start3A_77 = arith.constant 0 : i32
    %dma_start3A_78 = arith.constant 0 : i32
    %dma_start3A_79 = tpu.memref_slice %arg2[%add3A, %add3A_71, %dma_start3A_77, %dma_start3A_78] : memref<8x224x224x96xf32, #tpu.memory_space<hbm>> -> memref<1x1x224x96xf32, #tpu.memory_space<hbm>>
    %dma_start3A_80 = tpu.memref_squeeze %dma_start3A_79 : memref<1x1x224x96xf32, #tpu.memory_space<hbm>> -> memref<224x96xf32, #tpu.memory_space<hbm>>
    %dma_start3A_81 = arith.constant 0 : i32
    %dma_start3A_82 = arith.constant 0 : i32
    %dma_start3A_83 = tpu.memref_slice %arg6[%dma_start3A_72, %dma_start3A_81, %dma_start3A_82] : memref<2x224x96xf32, #tpu.memory_space<vmem>> -> memref<1x224x96xf32, #tpu.memory_space<vmem>>
    %dma_start3A_84 = tpu.memref_squeeze %dma_start3A_83 : memref<1x224x96xf32, #tpu.memory_space<vmem>> -> memref<224x96xf32, #tpu.memory_space<vmem>>
    %dma_start3A_85 = arith.constant 0 : i32
    %dma_start3A_86 = arith.constant 0 : i32
    %dma_start3A_87 = tpu.memref_slice %arg2[%add3A, %add3A_71, %dma_start3A_85, %dma_start3A_86] : memref<8x224x224x96xf32, #tpu.memory_space<hbm>> -> memref<1x1x224x96xf32, #tpu.memory_space<hbm>>
    %dma_start3A_88 = tpu.memref_squeeze %dma_start3A_87 : memref<1x1x224x96xf32, #tpu.memory_space<hbm>> -> memref<224x96xf32, #tpu.memory_space<hbm>>
    tpu.enqueue_dma source(%dma_start3A_88 : memref<224x96xf32, #tpu.memory_space<hbm>>) target(%dma_start3A_84 : memref<224x96xf32, #tpu.memory_space<vmem>>) target_semaphore(%arg10 : memref<!tpu.dma_semaphore, #tpu.memory_space<semaphore_mem>>)
    %scan3A = arith.constant 0 : i32
    %scan3A_89 = arith.constant 0 : i32
    %scan3A_90 = arith.constant 28 : i32
    %scan3A_91 = arith.addi %scan3A_89, %scan3A_90 : i32
    %scan3A_92 = arith.constant 1 : i32
    scf.for %scan3A_242 = %scan3A_89 to %scan3A_91 step %scan3A_92  : i32 {
      %mul3A_243 = arith.constant 2 : i32
      %mul3A_244 = arith.muli %mul3A_243, %scan3A_242 : i32
      %add3A_245 = arith.constant 0 : i32
      %add3A_246 = arith.addi %mul3A_244, %add3A_245 : i32
      %dma_wait3A_247 = arith.constant 0 : i32
      %dma_wait3A_248 = arith.constant 0 : i32
      %dma_wait3A_249 = arith.constant 0 : i32
      %dma_wait3A_250 = tpu.memref_slice %arg6[%dma_wait3A_247, %dma_wait3A_248, %dma_wait3A_249] : memref<2x224x96xf32, #tpu.memory_space<vmem>> -> memref<1x224x96xf32, #tpu.memory_space<vmem>>
      %dma_wait3A_251 = tpu.memref_squeeze %dma_wait3A_250 : memref<1x224x96xf32, #tpu.memory_space<vmem>> -> memref<224x96xf32, #tpu.memory_space<vmem>>
      %dma_wait3A_252 = arith.constant 0 : i32
      %dma_wait3A_253 = arith.constant 0 : i32
      %dma_wait3A_254 = tpu.memref_slice %arg2[%add3A, %mul3A_32, %dma_wait3A_252, %dma_wait3A_253] : memref<8x224x224x96xf32, #tpu.memory_space<hbm>> -> memref<1x1x224x96xf32, #tpu.memory_space<hbm>>
      %dma_wait3A_255 = tpu.memref_squeeze %dma_wait3A_254 : memref<1x1x224x96xf32, #tpu.memory_space<hbm>> -> memref<224x96xf32, #tpu.memory_space<hbm>>
      %dma_wait3A_256 = arith.constant 0 : i32
      %dma_wait3A_257 = arith.constant 0 : i32
      %dma_wait3A_258 = tpu.memref_slice %arg6[%dma_wait3A_247, %dma_wait3A_256, %dma_wait3A_257] : memref<2x224x96xf32, #tpu.memory_space<vmem>> -> memref<1x224x96xf32, #tpu.memory_space<vmem>>
      %dma_wait3A_259 = tpu.memref_squeeze %dma_wait3A_258 : memref<1x224x96xf32, #tpu.memory_space<vmem>> -> memref<224x96xf32, #tpu.memory_space<vmem>>
      %dma_wait3A_260 = arith.constant 0 : i32
      %dma_wait3A_261 = arith.constant 0 : i32
      %dma_wait3A_262 = tpu.memref_slice %arg2[%add3A, %mul3A_32, %dma_wait3A_260, %dma_wait3A_261] : memref<8x224x224x96xf32, #tpu.memory_space<hbm>> -> memref<1x1x224x96xf32, #tpu.memory_space<hbm>>
      %dma_wait3A_263 = tpu.memref_squeeze %dma_wait3A_262 : memref<1x1x224x96xf32, #tpu.memory_space<hbm>> -> memref<224x96xf32, #tpu.memory_space<hbm>>
      tpu.wait_dma2 semaphore(%arg9 : memref<!tpu.dma_semaphore, #tpu.memory_space<semaphore_mem>>) src(%dma_wait3A_263 : memref<224x96xf32, #tpu.memory_space<hbm>>) dst(%dma_wait3A_259 : memref<224x96xf32, #tpu.memory_space<vmem>>)
      %ge3A = arith.constant 2 : i32
      %ge3A_264 = arith.cmpi sge, %add3A_246, %ge3A : i32
      %convert_element_type3A = arith.extui %ge3A_264 : i1 to i32
      %cond3A = arith.constant 0 : i32
      %cond3A_265 = arith.cmpi ne, %convert_element_type3A, %cond3A : i32
      scf.if %cond3A_265 {
        %mul3A_356 = arith.constant 224 : i32
        %mul3A_357 = arith.muli %add3A, %mul3A_356 : i32
        %mul3A_358 = arith.constant 224 : i32
        %mul3A_359 = arith.muli %mul3A_357, %mul3A_358 : i32
        %dma_wait3A_360 = arith.constant 0 : i32
        %dma_wait3A_361 = arith.constant 0 : i32
        %dma_wait3A_362 = arith.constant 0 : i32
        %dma_wait3A_363 = tpu.memref_slice %arg7[%dma_wait3A_360, %dma_wait3A_361, %dma_wait3A_362] : memref<2x224x128xf32, #tpu.memory_space<vmem>> -> memref<1x224x128xf32, #tpu.memory_space<vmem>>
        %dma_wait3A_364 = tpu.memref_squeeze %dma_wait3A_363 : memref<1x224x128xf32, #tpu.memory_space<vmem>> -> memref<224x128xf32, #tpu.memory_space<vmem>>
        %dma_wait3A_365 = arith.constant 0 : i32
        %dma_wait3A_366 = tpu.memref_slice %arg5[%mul3A_359, %dma_wait3A_365] : memref<401408x128xf32, #tpu.memory_space<hbm>> -> memref<224x128xf32, #tpu.memory_space<hbm>>
        %dma_wait3A_367 = arith.constant 0 : i32
        %dma_wait3A_368 = tpu.memref_slice %arg5[%mul3A_359, %dma_wait3A_367] : memref<401408x128xf32, #tpu.memory_space<hbm>> -> memref<224x128xf32, #tpu.memory_space<hbm>>
        %dma_wait3A_369 = arith.constant 0 : i32
        %dma_wait3A_370 = arith.constant 0 : i32
        %dma_wait3A_371 = tpu.memref_slice %arg7[%dma_wait3A_360, %dma_wait3A_369, %dma_wait3A_370] : memref<2x224x128xf32, #tpu.memory_space<vmem>> -> memref<1x224x128xf32, #tpu.memory_space<vmem>>
        %dma_wait3A_372 = tpu.memref_squeeze %dma_wait3A_371 : memref<1x224x128xf32, #tpu.memory_space<vmem>> -> memref<224x128xf32, #tpu.memory_space<vmem>>
        tpu.wait_dma2 semaphore(%arg11 : memref<!tpu.dma_semaphore, #tpu.memory_space<semaphore_mem>>) src(%dma_wait3A_372 : memref<224x128xf32, #tpu.memory_space<vmem>>) dst(%dma_wait3A_368 : memref<224x128xf32, #tpu.memory_space<hbm>>)
      } else {
      }
      %scan3A_266 = arith.constant 0 : i32
      %scan3A_267 = arith.constant 0 : i32
      %scan3A_268 = arith.constant 224 : i32
      %scan3A_269 = arith.addi %scan3A_267, %scan3A_268 : i32
      %scan3A_270 = arith.constant 1 : i32
      scf.for %scan3A_356 = %scan3A_267 to %scan3A_269 step %scan3A_270  : i32 {
        %get3A = arith.constant 0 : i32
        %get3A_357 = arith.index_cast %get3A : i32 to index
        %get3A_358 = arith.index_cast %scan3A_356 : i32 to index
        %get3A_359 = arith.constant 0 : index
        %get3A_360 = tpu.vector_load %arg6[%get3A_357, %get3A_358, %get3A_359] {strides = array<i32>} : memref<2x224x96xf32, #tpu.memory_space<vmem>>, vector<1x1x16xf32>,
        %get3A_361 = vector.shape_cast %get3A_360 : vector<1x1x16xf32> to vector<16xf32>
        %swap3A = arith.constant 0 : i32
        %swap3A_362 = arith.index_cast %swap3A : i32 to index
        %swap3A_363 = arith.index_cast %scan3A_356 : i32 to index
        %swap3A_364 = arith.constant 0 : index
        %swap3A_365 = tpu.vector_load %arg7[%swap3A_362, %swap3A_363, %swap3A_364] {strides = array<i32>} : memref<2x224x128xf32, #tpu.memory_space<vmem>>, vector<1x1x16xf32>,
        %swap3A_366 = vector.shape_cast %swap3A_365 : vector<1x1x16xf32> to vector<16xf32>
        %swap3A_367 = vector.shape_cast %get3A_361 : vector<16xf32> to vector<1x1x16xf32>
        tpu.vector_store %arg7[%swap3A_362, %swap3A_363, %swap3A_364], %swap3A_367 {strides = array<i32>} : memref<2x224x128xf32, #tpu.memory_space<vmem>>, vector<1x1x16xf32>,
        %get3A_368 = arith.constant 0 : i32
        %get3A_369 = arith.index_cast %get3A_368 : i32 to index
        %get3A_370 = arith.index_cast %scan3A_356 : i32 to index
        %get3A_371 = arith.constant 16 : index
        %get3A_372 = tpu.vector_load %arg6[%get3A_369, %get3A_370, %get3A_371] {strides = array<i32>} : memref<2x224x96xf32, #tpu.memory_space<vmem>>, vector<1x1x16xf32>,
        %get3A_373 = vector.shape_cast %get3A_372 : vector<1x1x16xf32> to vector<16xf32>
        %swap3A_374 = arith.constant 0 : i32
        %swap3A_375 = arith.index_cast %swap3A_374 : i32 to index
        %swap3A_376 = arith.index_cast %scan3A_356 : i32 to index
        %swap3A_377 = arith.constant 16 : index
        %swap3A_378 = tpu.vector_load %arg7[%swap3A_375, %swap3A_376, %swap3A_377] {strides = array<i32>} : memref<2x224x128xf32, #tpu.memory_space<vmem>>, vector<1x1x16xf32>,
        %swap3A_379 = vector.shape_cast %swap3A_378 : vector<1x1x16xf32> to vector<16xf32>
        %swap3A_380 = vector.shape_cast %get3A_373 : vector<16xf32> to vector<1x1x16xf32>
        tpu.vector_store %arg7[%swap3A_375, %swap3A_376, %swap3A_377], %swap3A_380 {strides = array<i32>} : memref<2x224x128xf32, #tpu.memory_space<vmem>>, vector<1x1x16xf32>,
        %get3A_381 = arith.constant 0 : i32
        %get3A_382 = arith.index_cast %get3A_381 : i32 to index
        %get3A_383 = arith.index_cast %scan3A_356 : i32 to index
        %get3A_384 = arith.constant 32 : index
        %get3A_385 = tpu.vector_load %arg6[%get3A_382, %get3A_383, %get3A_384] {strides = array<i32>} : memref<2x224x96xf32, #tpu.memory_space<vmem>>, vector<1x1x16xf32>,
        %get3A_386 = vector.shape_cast %get3A_385 : vector<1x1x16xf32> to vector<16xf32>
        %swap3A_387 = arith.constant 0 : i32
        %swap3A_388 = arith.index_cast %swap3A_387 : i32 to index
        %swap3A_389 = arith.index_cast %scan3A_356 : i32 to index
        %swap3A_390 = arith.constant 32 : index
        %swap3A_391 = tpu.vector_load %arg7[%swap3A_388, %swap3A_389, %swap3A_390] {strides = array<i32>} : memref<2x224x128xf32, #tpu.memory_space<vmem>>, vector<1x1x16xf32>,
        %swap3A_392 = vector.shape_cast %swap3A_391 : vector<1x1x16xf32> to vector<16xf32>
        %swap3A_393 = vector.shape_cast %get3A_386 : vector<16xf32> to vector<1x1x16xf32>
        tpu.vector_store %arg7[%swap3A_388, %swap3A_389, %swap3A_390], %swap3A_393 {strides = array<i32>} : memref<2x224x128xf32, #tpu.memory_space<vmem>>, vector<1x1x16xf32>,
        %get3A_394 = arith.constant 0 : i32
        %get3A_395 = arith.index_cast %get3A_394 : i32 to index
        %get3A_396 = arith.index_cast %scan3A_356 : i32 to index
        %get3A_397 = arith.constant 48 : index
        %get3A_398 = tpu.vector_load %arg6[%get3A_395, %get3A_396, %get3A_397] {strides = array<i32>} : memref<2x224x96xf32, #tpu.memory_space<vmem>>, vector<1x1x16xf32>,
        %get3A_399 = vector.shape_cast %get3A_398 : vector<1x1x16xf32> to vector<16xf32>
        %swap3A_400 = arith.constant 0 : i32
        %swap3A_401 = arith.index_cast %swap3A_400 : i32 to index
        %swap3A_402 = arith.index_cast %scan3A_356 : i32 to index
        %swap3A_403 = arith.constant 48 : index
        %swap3A_404 = tpu.vector_load %arg7[%swap3A_401, %swap3A_402, %swap3A_403] {strides = array<i32>} : memref<2x224x128xf32, #tpu.memory_space<vmem>>, vector<1x1x16xf32>,
        %swap3A_405 = vector.shape_cast %swap3A_404 : vector<1x1x16xf32> to vector<16xf32>
        %swap3A_406 = vector.shape_cast %get3A_399 : vector<16xf32> to vector<1x1x16xf32>
        tpu.vector_store %arg7[%swap3A_401, %swap3A_402, %swap3A_403], %swap3A_406 {strides = array<i32>} : memref<2x224x128xf32, #tpu.memory_space<vmem>>, vector<1x1x16xf32>,
        %get3A_407 = arith.constant 0 : i32
        %get3A_408 = arith.index_cast %get3A_407 : i32 to index
        %get3A_409 = arith.index_cast %scan3A_356 : i32 to index
        %get3A_410 = arith.constant 64 : index
        %get3A_411 = tpu.vector_load %arg6[%get3A_408, %get3A_409, %get3A_410] {strides = array<i32>} : memref<2x224x96xf32, #tpu.memory_space<vmem>>, vector<1x1x16xf32>,
        %get3A_412 = vector.shape_cast %get3A_411 : vector<1x1x16xf32> to vector<16xf32>
        %swap3A_413 = arith.constant 0 : i32
        %swap3A_414 = arith.index_cast %swap3A_413 : i32 to index
        %swap3A_415 = arith.index_cast %scan3A_356 : i32 to index
        %swap3A_416 = arith.constant 64 : index
        %swap3A_417 = tpu.vector_load %arg7[%swap3A_414, %swap3A_415, %swap3A_416] {strides = array<i32>} : memref<2x224x128xf32, #tpu.memory_space<vmem>>, vector<1x1x16xf32>,
        %swap3A_418 = vector.shape_cast %swap3A_417 : vector<1x1x16xf32> to vector<16xf32>
        %swap3A_419 = vector.shape_cast %get3A_412 : vector<16xf32> to vector<1x1x16xf32>
        tpu.vector_store %arg7[%swap3A_414, %swap3A_415, %swap3A_416], %swap3A_419 {strides = array<i32>} : memref<2x224x128xf32, #tpu.memory_space<vmem>>, vector<1x1x16xf32>,
        %get3A_420 = arith.constant 0 : i32
        %get3A_421 = arith.index_cast %get3A_420 : i32 to index
        %get3A_422 = arith.index_cast %scan3A_356 : i32 to index
        %get3A_423 = arith.constant 80 : index
        %get3A_424 = tpu.vector_load %arg6[%get3A_421, %get3A_422, %get3A_423] {strides = array<i32>} : memref<2x224x96xf32, #tpu.memory_space<vmem>>, vector<1x1x16xf32>,
        %get3A_425 = vector.shape_cast %get3A_424 : vector<1x1x16xf32> to vector<16xf32>
        %swap3A_426 = arith.constant 0 : i32
        %swap3A_427 = arith.index_cast %swap3A_426 : i32 to index
        %swap3A_428 = arith.index_cast %scan3A_356 : i32 to index
        %swap3A_429 = arith.constant 80 : index
        %swap3A_430 = tpu.vector_load %arg7[%swap3A_427, %swap3A_428, %swap3A_429] {strides = array<i32>} : memref<2x224x128xf32, #tpu.memory_space<vmem>>, vector<1x1x16xf32>,
        %swap3A_431 = vector.shape_cast %swap3A_430 : vector<1x1x16xf32> to vector<16xf32>
        %swap3A_432 = vector.shape_cast %get3A_425 : vector<16xf32> to vector<1x1x16xf32>
        tpu.vector_store %arg7[%swap3A_427, %swap3A_428, %swap3A_429], %swap3A_432 {strides = array<i32>} : memref<2x224x128xf32, #tpu.memory_space<vmem>>, vector<1x1x16xf32>,
      }
      %scan3A_271 = arith.constant 224 : i32
      %mul3A_272 = arith.constant 224 : i32
      %mul3A_273 = arith.muli %add3A, %mul3A_272 : i32
      %add3A_274 = arith.addi %mul3A_273, %mul3A_32 : i32
      %add3A_275 = arith.addi %add3A_274, %add3A_246 : i32
      %mul3A_276 = arith.constant 224 : i32
      %mul3A_277 = arith.muli %add3A_275, %mul3A_276 : i32
      %dma_start3A_278 = arith.constant 0 : i32
      %dma_start3A_279 = arith.constant 0 : i32
      %dma_start3A_280 = arith.constant 0 : i32
      %dma_start3A_281 = tpu.memref_slice %arg7[%dma_start3A_278, %dma_start3A_279, %dma_start3A_280] : memref<2x224x128xf32, #tpu.memory_space<vmem>> -> memref<1x224x128xf32, #tpu.memory_space<vmem>>
      %dma_start3A_282 = tpu.memref_squeeze %dma_start3A_281 : memref<1x224x128xf32, #tpu.memory_space<vmem>> -> memref<224x128xf32, #tpu.memory_space<vmem>>
      %dma_start3A_283 = arith.constant 0 : i32
      %dma_start3A_284 = tpu.memref_slice %arg5[%mul3A_277, %dma_start3A_283] : memref<401408x128xf32, #tpu.memory_space<hbm>> -> memref<224x128xf32, #tpu.memory_space<hbm>>
      %dma_start3A_285 = arith.constant 0 : i32
      %dma_start3A_286 = tpu.memref_slice %arg5[%mul3A_277, %dma_start3A_285] : memref<401408x128xf32, #tpu.memory_space<hbm>> -> memref<224x128xf32, #tpu.memory_space<hbm>>
      %dma_start3A_287 = arith.constant 0 : i32
      %dma_start3A_288 = arith.constant 0 : i32
      %dma_start3A_289 = tpu.memref_slice %arg7[%dma_start3A_278, %dma_start3A_287, %dma_start3A_288] : memref<2x224x128xf32, #tpu.memory_space<vmem>> -> memref<1x224x128xf32, #tpu.memory_space<vmem>>
      %dma_start3A_290 = tpu.memref_squeeze %dma_start3A_289 : memref<1x224x128xf32, #tpu.memory_space<vmem>> -> memref<224x128xf32, #tpu.memory_space<vmem>>
      tpu.enqueue_dma source(%dma_start3A_290 : memref<224x128xf32, #tpu.memory_space<vmem>>) target(%dma_start3A_286 : memref<224x128xf32, #tpu.memory_space<hbm>>) target_semaphore(%arg11 : memref<!tpu.dma_semaphore, #tpu.memory_space<semaphore_mem>>)
      %add3A_291 = arith.constant 2 : i32
      %add3A_292 = arith.addi %add3A_246, %add3A_291 : i32
      %lt3A_293 = arith.constant 56 : i32
      %lt3A_294 = arith.cmpi slt, %add3A_292, %lt3A_293 : i32
      %convert_element_type3A_295 = arith.extui %lt3A_294 : i1 to i32
      %cond3A_296 = arith.constant 0 : i32
      %cond3A_297 = arith.cmpi ne, %convert_element_type3A_295, %cond3A_296 : i32
      scf.if %cond3A_297 {
        %add3A_356 = arith.constant 2 : i32
        %add3A_357 = arith.addi %add3A_246, %add3A_356 : i32
        %add3A_358 = arith.addi %mul3A_32, %add3A_357 : i32
        %dma_start3A_359 = arith.constant 0 : i32
        %dma_start3A_360 = arith.constant 0 : i32
        %dma_start3A_361 = arith.constant 0 : i32
        %dma_start3A_362 = tpu.memref_slice %arg6[%dma_start3A_359, %dma_start3A_360, %dma_start3A_361] : memref<2x224x96xf32, #tpu.memory_space<vmem>> -> memref<1x224x96xf32, #tpu.memory_space<vmem>>
        %dma_start3A_363 = tpu.memref_squeeze %dma_start3A_362 : memref<1x224x96xf32, #tpu.memory_space<vmem>> -> memref<224x96xf32, #tpu.memory_space<vmem>>
        %dma_start3A_364 = arith.constant 0 : i32
        %dma_start3A_365 = arith.constant 0 : i32
        %dma_start3A_366 = tpu.memref_slice %arg2[%add3A, %add3A_358, %dma_start3A_364, %dma_start3A_365] : memref<8x224x224x96xf32, #tpu.memory_space<hbm>> -> memref<1x1x224x96xf32, #tpu.memory_space<hbm>>
        %dma_start3A_367 = tpu.memref_squeeze %dma_start3A_366 : memref<1x1x224x96xf32, #tpu.memory_space<hbm>> -> memref<224x96xf32, #tpu.memory_space<hbm>>
        %dma_start3A_368 = arith.constant 0 : i32
        %dma_start3A_369 = arith.constant 0 : i32
        %dma_start3A_370 = tpu.memref_slice %arg6[%dma_start3A_359, %dma_start3A_368, %dma_start3A_369] : memref<2x224x96xf32, #tpu.memory_space<vmem>> -> memref<1x224x96xf32, #tpu.memory_space<vmem>>
        %dma_start3A_371 = tpu.memref_squeeze %dma_start3A_370 : memref<1x224x96xf32, #tpu.memory_space<vmem>> -> memref<224x96xf32, #tpu.memory_space<vmem>>
        %dma_start3A_372 = arith.constant 0 : i32
        %dma_start3A_373 = arith.constant 0 : i32
        %dma_start3A_374 = tpu.memref_slice %arg2[%add3A, %add3A_358, %dma_start3A_372, %dma_start3A_373] : memref<8x224x224x96xf32, #tpu.memory_space<hbm>> -> memref<1x1x224x96xf32, #tpu.memory_space<hbm>>
        %dma_start3A_375 = tpu.memref_squeeze %dma_start3A_374 : memref<1x1x224x96xf32, #tpu.memory_space<hbm>> -> memref<224x96xf32, #tpu.memory_space<hbm>>
        tpu.enqueue_dma source(%dma_start3A_375 : memref<224x96xf32, #tpu.memory_space<hbm>>) target(%dma_start3A_371 : memref<224x96xf32, #tpu.memory_space<vmem>>) target_semaphore(%arg9 : memref<!tpu.dma_semaphore, #tpu.memory_space<semaphore_mem>>)
      } else {
      }
      %mul3A_298 = arith.constant 2 : i32
      %mul3A_299 = arith.muli %mul3A_298, %scan3A_242 : i32
      %add3A_300 = arith.constant 1 : i32
      %add3A_301 = arith.addi %mul3A_299, %add3A_300 : i32
      %dma_wait3A_302 = arith.constant 1 : i32
      %dma_wait3A_303 = arith.constant 0 : i32
      %dma_wait3A_304 = arith.constant 0 : i32
      %dma_wait3A_305 = tpu.memref_slice %arg6[%dma_wait3A_302, %dma_wait3A_303, %dma_wait3A_304] : memref<2x224x96xf32, #tpu.memory_space<vmem>> -> memref<1x224x96xf32, #tpu.memory_space<vmem>>
      %dma_wait3A_306 = tpu.memref_squeeze %dma_wait3A_305 : memref<1x224x96xf32, #tpu.memory_space<vmem>> -> memref<224x96xf32, #tpu.memory_space<vmem>>
      %dma_wait3A_307 = arith.constant 0 : i32
      %dma_wait3A_308 = arith.constant 0 : i32
      %dma_wait3A_309 = tpu.memref_slice %arg2[%add3A, %mul3A_32, %dma_wait3A_307, %dma_wait3A_308] : memref<8x224x224x96xf32, #tpu.memory_space<hbm>> -> memref<1x1x224x96xf32, #tpu.memory_space<hbm>>
      %dma_wait3A_310 = tpu.memref_squeeze %dma_wait3A_309 : memref<1x1x224x96xf32, #tpu.memory_space<hbm>> -> memref<224x96xf32, #tpu.memory_space<hbm>>
      %dma_wait3A_311 = arith.constant 0 : i32
      %dma_wait3A_312 = arith.constant 0 : i32
      %dma_wait3A_313 = tpu.memref_slice %arg6[%dma_wait3A_302, %dma_wait3A_311, %dma_wait3A_312] : memref<2x224x96xf32, #tpu.memory_space<vmem>> -> memref<1x224x96xf32, #tpu.memory_space<vmem>>
      %dma_wait3A_314 = tpu.memref_squeeze %dma_wait3A_313 : memref<1x224x96xf32, #tpu.memory_space<vmem>> -> memref<224x96xf32, #tpu.memory_space<vmem>>
      %dma_wait3A_315 = arith.constant 0 : i32
      %dma_wait3A_316 = arith.constant 0 : i32
      %dma_wait3A_317 = tpu.memref_slice %arg2[%add3A, %mul3A_32, %dma_wait3A_315, %dma_wait3A_316] : memref<8x224x224x96xf32, #tpu.memory_space<hbm>> -> memref<1x1x224x96xf32, #tpu.memory_space<hbm>>
      %dma_wait3A_318 = tpu.memref_squeeze %dma_wait3A_317 : memref<1x1x224x96xf32, #tpu.memory_space<hbm>> -> memref<224x96xf32, #tpu.memory_space<hbm>>
      tpu.wait_dma2 semaphore(%arg10 : memref<!tpu.dma_semaphore, #tpu.memory_space<semaphore_mem>>) src(%dma_wait3A_318 : memref<224x96xf32, #tpu.memory_space<hbm>>) dst(%dma_wait3A_314 : memref<224x96xf32, #tpu.memory_space<vmem>>)
      %ge3A_319 = arith.constant 2 : i32
      %ge3A_320 = arith.cmpi sge, %add3A_301, %ge3A_319 : i32
      %convert_element_type3A_321 = arith.extui %ge3A_320 : i1 to i32
      %cond3A_322 = arith.constant 0 : i32
      %cond3A_323 = arith.cmpi ne, %convert_element_type3A_321, %cond3A_322 : i32
      scf.if %cond3A_323 {
        %mul3A_356 = arith.constant 224 : i32
        %mul3A_357 = arith.muli %add3A, %mul3A_356 : i32
        %mul3A_358 = arith.constant 224 : i32
        %mul3A_359 = arith.muli %mul3A_357, %mul3A_358 : i32
        %dma_wait3A_360 = arith.constant 1 : i32
        %dma_wait3A_361 = arith.constant 0 : i32
        %dma_wait3A_362 = arith.constant 0 : i32
        %dma_wait3A_363 = tpu.memref_slice %arg7[%dma_wait3A_360, %dma_wait3A_361, %dma_wait3A_362] : memref<2x224x128xf32, #tpu.memory_space<vmem>> -> memref<1x224x128xf32, #tpu.memory_space<vmem>>
        %dma_wait3A_364 = tpu.memref_squeeze %dma_wait3A_363 : memref<1x224x128xf32, #tpu.memory_space<vmem>> -> memref<224x128xf32, #tpu.memory_space<vmem>>
        %dma_wait3A_365 = arith.constant 0 : i32
        %dma_wait3A_366 = tpu.memref_slice %arg5[%mul3A_359, %dma_wait3A_365] : memref<401408x128xf32, #tpu.memory_space<hbm>> -> memref<224x128xf32, #tpu.memory_space<hbm>>
        %dma_wait3A_367 = arith.constant 0 : i32
        %dma_wait3A_368 = tpu.memref_slice %arg5[%mul3A_359, %dma_wait3A_367] : memref<401408x128xf32, #tpu.memory_space<hbm>> -> memref<224x128xf32, #tpu.memory_space<hbm>>
        %dma_wait3A_369 = arith.constant 0 : i32
        %dma_wait3A_370 = arith.constant 0 : i32
        %dma_wait3A_371 = tpu.memref_slice %arg7[%dma_wait3A_360, %dma_wait3A_369, %dma_wait3A_370] : memref<2x224x128xf32, #tpu.memory_space<vmem>> -> memref<1x224x128xf32, #tpu.memory_space<vmem>>
        %dma_wait3A_372 = tpu.memref_squeeze %dma_wait3A_371 : memref<1x224x128xf32, #tpu.memory_space<vmem>> -> memref<224x128xf32, #tpu.memory_space<vmem>>
        tpu.wait_dma2 semaphore(%arg12 : memref<!tpu.dma_semaphore, #tpu.memory_space<semaphore_mem>>) src(%dma_wait3A_372 : memref<224x128xf32, #tpu.memory_space<vmem>>) dst(%dma_wait3A_368 : memref<224x128xf32, #tpu.memory_space<hbm>>)
      } else {
      }
      %scan3A_324 = arith.constant 0 : i32
      %scan3A_325 = arith.constant 0 : i32
      %scan3A_326 = arith.constant 224 : i32
      %scan3A_327 = arith.addi %scan3A_325, %scan3A_326 : i32
      %scan3A_328 = arith.constant 1 : i32
      scf.for %scan3A_356 = %scan3A_325 to %scan3A_327 step %scan3A_328  : i32 {
        %get3A = arith.constant 1 : i32
        %get3A_357 = arith.index_cast %get3A : i32 to index
        %get3A_358 = arith.index_cast %scan3A_356 : i32 to index
        %get3A_359 = arith.constant 0 : index
        %get3A_360 = tpu.vector_load %arg6[%get3A_357, %get3A_358, %get3A_359] {strides = array<i32>} : memref<2x224x96xf32, #tpu.memory_space<vmem>>, vector<1x1x16xf32>,
        %get3A_361 = vector.shape_cast %get3A_360 : vector<1x1x16xf32> to vector<16xf32>
        %swap3A = arith.constant 1 : i32
        %swap3A_362 = arith.index_cast %swap3A : i32 to index
        %swap3A_363 = arith.index_cast %scan3A_356 : i32 to index
        %swap3A_364 = arith.constant 0 : index
        %swap3A_365 = tpu.vector_load %arg7[%swap3A_362, %swap3A_363, %swap3A_364] {strides = array<i32>} : memref<2x224x128xf32, #tpu.memory_space<vmem>>, vector<1x1x16xf32>,
        %swap3A_366 = vector.shape_cast %swap3A_365 : vector<1x1x16xf32> to vector<16xf32>
        %swap3A_367 = vector.shape_cast %get3A_361 : vector<16xf32> to vector<1x1x16xf32>
        tpu.vector_store %arg7[%swap3A_362, %swap3A_363, %swap3A_364], %swap3A_367 {strides = array<i32>} : memref<2x224x128xf32, #tpu.memory_space<vmem>>, vector<1x1x16xf32>,
        %get3A_368 = arith.constant 1 : i32
        %get3A_369 = arith.index_cast %get3A_368 : i32 to index
        %get3A_370 = arith.index_cast %scan3A_356 : i32 to index
        %get3A_371 = arith.constant 16 : index
        %get3A_372 = tpu.vector_load %arg6[%get3A_369, %get3A_370, %get3A_371] {strides = array<i32>} : memref<2x224x96xf32, #tpu.memory_space<vmem>>, vector<1x1x16xf32>,
        %get3A_373 = vector.shape_cast %get3A_372 : vector<1x1x16xf32> to vector<16xf32>
        %swap3A_374 = arith.constant 1 : i32
        %swap3A_375 = arith.index_cast %swap3A_374 : i32 to index
        %swap3A_376 = arith.index_cast %scan3A_356 : i32 to index
        %swap3A_377 = arith.constant 16 : index
        %swap3A_378 = tpu.vector_load %arg7[%swap3A_375, %swap3A_376, %swap3A_377] {strides = array<i32>} : memref<2x224x128xf32, #tpu.memory_space<vmem>>, vector<1x1x16xf32>,
        %swap3A_379 = vector.shape_cast %swap3A_378 : vector<1x1x16xf32> to vector<16xf32>
        %swap3A_380 = vector.shape_cast %get3A_373 : vector<16xf32> to vector<1x1x16xf32>
        tpu.vector_store %arg7[%swap3A_375, %swap3A_376, %swap3A_377], %swap3A_380 {strides = array<i32>} : memref<2x224x128xf32, #tpu.memory_space<vmem>>, vector<1x1x16xf32>,
        %get3A_381 = arith.constant 1 : i32
        %get3A_382 = arith.index_cast %get3A_381 : i32 to index
        %get3A_383 = arith.index_cast %scan3A_356 : i32 to index
        %get3A_384 = arith.constant 32 : index
        %get3A_385 = tpu.vector_load %arg6[%get3A_382, %get3A_383, %get3A_384] {strides = array<i32>} : memref<2x224x96xf32, #tpu.memory_space<vmem>>, vector<1x1x16xf32>,
        %get3A_386 = vector.shape_cast %get3A_385 : vector<1x1x16xf32> to vector<16xf32>
        %swap3A_387 = arith.constant 1 : i32
        %swap3A_388 = arith.index_cast %swap3A_387 : i32 to index
        %swap3A_389 = arith.index_cast %scan3A_356 : i32 to index
        %swap3A_390 = arith.constant 32 : index
        %swap3A_391 = tpu.vector_load %arg7[%swap3A_388, %swap3A_389, %swap3A_390] {strides = array<i32>} : memref<2x224x128xf32, #tpu.memory_space<vmem>>, vector<1x1x16xf32>,
        %swap3A_392 = vector.shape_cast %swap3A_391 : vector<1x1x16xf32> to vector<16xf32>
        %swap3A_393 = vector.shape_cast %get3A_386 : vector<16xf32> to vector<1x1x16xf32>
        tpu.vector_store %arg7[%swap3A_388, %swap3A_389, %swap3A_390], %swap3A_393 {strides = array<i32>} : memref<2x224x128xf32, #tpu.memory_space<vmem>>, vector<1x1x16xf32>,
        %get3A_394 = arith.constant 1 : i32
        %get3A_395 = arith.index_cast %get3A_394 : i32 to index
        %get3A_396 = arith.index_cast %scan3A_356 : i32 to index
        %get3A_397 = arith.constant 48 : index
        %get3A_398 = tpu.vector_load %arg6[%get3A_395, %get3A_396, %get3A_397] {strides = array<i32>} : memref<2x224x96xf32, #tpu.memory_space<vmem>>, vector<1x1x16xf32>,
        %get3A_399 = vector.shape_cast %get3A_398 : vector<1x1x16xf32> to vector<16xf32>
        %swap3A_400 = arith.constant 1 : i32
        %swap3A_401 = arith.index_cast %swap3A_400 : i32 to index
        %swap3A_402 = arith.index_cast %scan3A_356 : i32 to index
        %swap3A_403 = arith.constant 48 : index
        %swap3A_404 = tpu.vector_load %arg7[%swap3A_401, %swap3A_402, %swap3A_403] {strides = array<i32>} : memref<2x224x128xf32, #tpu.memory_space<vmem>>, vector<1x1x16xf32>,
        %swap3A_405 = vector.shape_cast %swap3A_404 : vector<1x1x16xf32> to vector<16xf32>
        %swap3A_406 = vector.shape_cast %get3A_399 : vector<16xf32> to vector<1x1x16xf32>
        tpu.vector_store %arg7[%swap3A_401, %swap3A_402, %swap3A_403], %swap3A_406 {strides = array<i32>} : memref<2x224x128xf32, #tpu.memory_space<vmem>>, vector<1x1x16xf32>,
        %get3A_407 = arith.constant 1 : i32
        %get3A_408 = arith.index_cast %get3A_407 : i32 to index
        %get3A_409 = arith.index_cast %scan3A_356 : i32 to index
        %get3A_410 = arith.constant 64 : index
        %get3A_411 = tpu.vector_load %arg6[%get3A_408, %get3A_409, %get3A_410] {strides = array<i32>} : memref<2x224x96xf32, #tpu.memory_space<vmem>>, vector<1x1x16xf32>,
        %get3A_412 = vector.shape_cast %get3A_411 : vector<1x1x16xf32> to vector<16xf32>
        %swap3A_413 = arith.constant 1 : i32
        %swap3A_414 = arith.index_cast %swap3A_413 : i32 to index
        %swap3A_415 = arith.index_cast %scan3A_356 : i32 to index
        %swap3A_416 = arith.constant 64 : index
        %swap3A_417 = tpu.vector_load %arg7[%swap3A_414, %swap3A_415, %swap3A_416] {strides = array<i32>} : memref<2x224x128xf32, #tpu.memory_space<vmem>>, vector<1x1x16xf32>,
        %swap3A_418 = vector.shape_cast %swap3A_417 : vector<1x1x16xf32> to vector<16xf32>
        %swap3A_419 = vector.shape_cast %get3A_412 : vector<16xf32> to vector<1x1x16xf32>
        tpu.vector_store %arg7[%swap3A_414, %swap3A_415, %swap3A_416], %swap3A_419 {strides = array<i32>} : memref<2x224x128xf32, #tpu.memory_space<vmem>>, vector<1x1x16xf32>,
        %get3A_420 = arith.constant 1 : i32
        %get3A_421 = arith.index_cast %get3A_420 : i32 to index
        %get3A_422 = arith.index_cast %scan3A_356 : i32 to index
        %get3A_423 = arith.constant 80 : index
        %get3A_424 = tpu.vector_load %arg6[%get3A_421, %get3A_422, %get3A_423] {strides = array<i32>} : memref<2x224x96xf32, #tpu.memory_space<vmem>>, vector<1x1x16xf32>,
        %get3A_425 = vector.shape_cast %get3A_424 : vector<1x1x16xf32> to vector<16xf32>
        %swap3A_426 = arith.constant 1 : i32
        %swap3A_427 = arith.index_cast %swap3A_426 : i32 to index
        %swap3A_428 = arith.index_cast %scan3A_356 : i32 to index
        %swap3A_429 = arith.constant 80 : index
        %swap3A_430 = tpu.vector_load %arg7[%swap3A_427, %swap3A_428, %swap3A_429] {strides = array<i32>} : memref<2x224x128xf32, #tpu.memory_space<vmem>>, vector<1x1x16xf32>,
        %swap3A_431 = vector.shape_cast %swap3A_430 : vector<1x1x16xf32> to vector<16xf32>
        %swap3A_432 = vector.shape_cast %get3A_425 : vector<16xf32> to vector<1x1x16xf32>
        tpu.vector_store %arg7[%swap3A_427, %swap3A_428, %swap3A_429], %swap3A_432 {strides = array<i32>} : memref<2x224x128xf32, #tpu.memory_space<vmem>>, vector<1x1x16xf32>,
      }
      %scan3A_329 = arith.constant 224 : i32
      %mul3A_330 = arith.constant 224 : i32
      %mul3A_331 = arith.muli %add3A, %mul3A_330 : i32
      %add3A_332 = arith.addi %mul3A_331, %mul3A_32 : i32
      %add3A_333 = arith.addi %add3A_332, %add3A_301 : i32
      %mul3A_334 = arith.constant 224 : i32
      %mul3A_335 = arith.muli %add3A_333, %mul3A_334 : i32
      %dma_start3A_336 = arith.constant 1 : i32
      %dma_start3A_337 = arith.constant 0 : i32
      %dma_start3A_338 = arith.constant 0 : i32
      %dma_start3A_339 = tpu.memref_slice %arg7[%dma_start3A_336, %dma_start3A_337, %dma_start3A_338] : memref<2x224x128xf32, #tpu.memory_space<vmem>> -> memref<1x224x128xf32, #tpu.memory_space<vmem>>
      %dma_start3A_340 = tpu.memref_squeeze %dma_start3A_339 : memref<1x224x128xf32, #tpu.memory_space<vmem>> -> memref<224x128xf32, #tpu.memory_space<vmem>>
      %dma_start3A_341 = arith.constant 0 : i32
      %dma_start3A_342 = tpu.memref_slice %arg5[%mul3A_335, %dma_start3A_341] : memref<401408x128xf32, #tpu.memory_space<hbm>> -> memref<224x128xf32, #tpu.memory_space<hbm>>
      %dma_start3A_343 = arith.constant 0 : i32
      %dma_start3A_344 = tpu.memref_slice %arg5[%mul3A_335, %dma_start3A_343] : memref<401408x128xf32, #tpu.memory_space<hbm>> -> memref<224x128xf32, #tpu.memory_space<hbm>>
      %dma_start3A_345 = arith.constant 0 : i32
      %dma_start3A_346 = arith.constant 0 : i32
      %dma_start3A_347 = tpu.memref_slice %arg7[%dma_start3A_336, %dma_start3A_345, %dma_start3A_346] : memref<2x224x128xf32, #tpu.memory_space<vmem>> -> memref<1x224x128xf32, #tpu.memory_space<vmem>>
      %dma_start3A_348 = tpu.memref_squeeze %dma_start3A_347 : memref<1x224x128xf32, #tpu.memory_space<vmem>> -> memref<224x128xf32, #tpu.memory_space<vmem>>
      tpu.enqueue_dma source(%dma_start3A_348 : memref<224x128xf32, #tpu.memory_space<vmem>>) target(%dma_start3A_344 : memref<224x128xf32, #tpu.memory_space<hbm>>) target_semaphore(%arg12 : memref<!tpu.dma_semaphore, #tpu.memory_space<semaphore_mem>>)
      %add3A_349 = arith.constant 2 : i32
      %add3A_350 = arith.addi %add3A_301, %add3A_349 : i32
      %lt3A_351 = arith.constant 56 : i32
      %lt3A_352 = arith.cmpi slt, %add3A_350, %lt3A_351 : i32
      %convert_element_type3A_353 = arith.extui %lt3A_352 : i1 to i32
      %cond3A_354 = arith.constant 0 : i32
      %cond3A_355 = arith.cmpi ne, %convert_element_type3A_353, %cond3A_354 : i32
      scf.if %cond3A_355 {
        %add3A_356 = arith.constant 2 : i32
        %add3A_357 = arith.addi %add3A_301, %add3A_356 : i32
        %add3A_358 = arith.addi %mul3A_32, %add3A_357 : i32
        %dma_start3A_359 = arith.constant 1 : i32
        %dma_start3A_360 = arith.constant 0 : i32
        %dma_start3A_361 = arith.constant 0 : i32
        %dma_start3A_362 = tpu.memref_slice %arg6[%dma_start3A_359, %dma_start3A_360, %dma_start3A_361] : memref<2x224x96xf32, #tpu.memory_space<vmem>> -> memref<1x224x96xf32, #tpu.memory_space<vmem>>
        %dma_start3A_363 = tpu.memref_squeeze %dma_start3A_362 : memref<1x224x96xf32, #tpu.memory_space<vmem>> -> memref<224x96xf32, #tpu.memory_space<vmem>>
        %dma_start3A_364 = arith.constant 0 : i32
        %dma_start3A_365 = arith.constant 0 : i32
        %dma_start3A_366 = tpu.memref_slice %arg2[%add3A, %add3A_358, %dma_start3A_364, %dma_start3A_365] : memref<8x224x224x96xf32, #tpu.memory_space<hbm>> -> memref<1x1x224x96xf32, #tpu.memory_space<hbm>>
        %dma_start3A_367 = tpu.memref_squeeze %dma_start3A_366 : memref<1x1x224x96xf32, #tpu.memory_space<hbm>> -> memref<224x96xf32, #tpu.memory_space<hbm>>
        %dma_start3A_368 = arith.constant 0 : i32
        %dma_start3A_369 = arith.constant 0 : i32
        %dma_start3A_370 = tpu.memref_slice %arg6[%dma_start3A_359, %dma_start3A_368, %dma_start3A_369] : memref<2x224x96xf32, #tpu.memory_space<vmem>> -> memref<1x224x96xf32, #tpu.memory_space<vmem>>
        %dma_start3A_371 = tpu.memref_squeeze %dma_start3A_370 : memref<1x224x96xf32, #tpu.memory_space<vmem>> -> memref<224x96xf32, #tpu.memory_space<vmem>>
        %dma_start3A_372 = arith.constant 0 : i32
        %dma_start3A_373 = arith.constant 0 : i32
        %dma_start3A_374 = tpu.memref_slice %arg2[%add3A, %add3A_358, %dma_start3A_372, %dma_start3A_373] : memref<8x224x224x96xf32, #tpu.memory_space<hbm>> -> memref<1x1x224x96xf32, #tpu.memory_space<hbm>>
        %dma_start3A_375 = tpu.memref_squeeze %dma_start3A_374 : memref<1x1x224x96xf32, #tpu.memory_space<hbm>> -> memref<224x96xf32, #tpu.memory_space<hbm>>
        tpu.enqueue_dma source(%dma_start3A_375 : memref<224x96xf32, #tpu.memory_space<hbm>>) target(%dma_start3A_371 : memref<224x96xf32, #tpu.memory_space<vmem>>) target_semaphore(%arg10 : memref<!tpu.dma_semaphore, #tpu.memory_space<semaphore_mem>>)
      } else {
      }
    }
    %scan3A_93 = arith.constant 28 : i32
    %mul3A_94 = arith.constant 224 : i32
    %mul3A_95 = arith.muli %add3A, %mul3A_94 : i32
    %mul3A_96 = arith.constant 224 : i32
    %mul3A_97 = arith.muli %mul3A_95, %mul3A_96 : i32
    %dma_wait3A = arith.constant 0 : i32
    %dma_wait3A_98 = arith.constant 0 : i32
    %dma_wait3A_99 = arith.constant 0 : i32
    %dma_wait3A_100 = tpu.memref_slice %arg7[%dma_wait3A, %dma_wait3A_98, %dma_wait3A_99] : memref<2x224x128xf32, #tpu.memory_space<vmem>> -> memref<1x224x128xf32, #tpu.memory_space<vmem>>
    %dma_wait3A_101 = tpu.memref_squeeze %dma_wait3A_100 : memref<1x224x128xf32, #tpu.memory_space<vmem>> -> memref<224x128xf32, #tpu.memory_space<vmem>>
    %dma_wait3A_102 = arith.constant 0 : i32
    %dma_wait3A_103 = tpu.memref_slice %arg5[%mul3A_97, %dma_wait3A_102] : memref<401408x128xf32, #tpu.memory_space<hbm>> -> memref<224x128xf32, #tpu.memory_space<hbm>>
    %dma_wait3A_104 = arith.constant 0 : i32
    %dma_wait3A_105 = tpu.memref_slice %arg5[%mul3A_97, %dma_wait3A_104] : memref<401408x128xf32, #tpu.memory_space<hbm>> -> memref<224x128xf32, #tpu.memory_space<hbm>>
    %dma_wait3A_106 = arith.constant 0 : i32
    %dma_wait3A_107 = arith.constant 0 : i32
    %dma_wait3A_108 = tpu.memref_slice %arg7[%dma_wait3A, %dma_wait3A_106, %dma_wait3A_107] : memref<2x224x128xf32, #tpu.memory_space<vmem>> -> memref<1x224x128xf32, #tpu.memory_space<vmem>>
    %dma_wait3A_109 = tpu.memref_squeeze %dma_wait3A_108 : memref<1x224x128xf32, #tpu.memory_space<vmem>> -> memref<224x128xf32, #tpu.memory_space<vmem>>
    tpu.wait_dma2 semaphore(%arg11 : memref<!tpu.dma_semaphore, #tpu.memory_space<semaphore_mem>>) src(%dma_wait3A_109 : memref<224x128xf32, #tpu.memory_space<vmem>>) dst(%dma_wait3A_105 : memref<224x128xf32, #tpu.memory_space<hbm>>)
    %mul3A_110 = arith.constant 224 : i32
    %mul3A_111 = arith.muli %add3A, %mul3A_110 : i32
    %mul3A_112 = arith.constant 224 : i32
    %mul3A_113 = arith.muli %mul3A_111, %mul3A_112 : i32
    %dma_wait3A_114 = arith.constant 1 : i32
    %dma_wait3A_115 = arith.constant 0 : i32
    %dma_wait3A_116 = arith.constant 0 : i32
    %dma_wait3A_117 = tpu.memref_slice %arg7[%dma_wait3A_114, %dma_wait3A_115, %dma_wait3A_116] : memref<2x224x128xf32, #tpu.memory_space<vmem>> -> memref<1x224x128xf32, #tpu.memory_space<vmem>>
    %dma_wait3A_118 = tpu.memref_squeeze %dma_wait3A_117 : memref<1x224x128xf32, #tpu.memory_space<vmem>> -> memref<224x128xf32, #tpu.memory_space<vmem>>
    %dma_wait3A_119 = arith.constant 0 : i32
    %dma_wait3A_120 = tpu.memref_slice %arg5[%mul3A_113, %dma_wait3A_119] : memref<401408x128xf32, #tpu.memory_space<hbm>> -> memref<224x128xf32, #tpu.memory_space<hbm>>
    %dma_wait3A_121 = arith.constant 0 : i32
    %dma_wait3A_122 = tpu.memref_slice %arg5[%mul3A_113, %dma_wait3A_121] : memref<401408x128xf32, #tpu.memory_space<hbm>> -> memref<224x128xf32, #tpu.memory_space<hbm>>
    %dma_wait3A_123 = arith.constant 0 : i32
    %dma_wait3A_124 = arith.constant 0 : i32
    %dma_wait3A_125 = tpu.memref_slice %arg7[%dma_wait3A_114, %dma_wait3A_123, %dma_wait3A_124] : memref<2x224x128xf32, #tpu.memory_space<vmem>> -> memref<1x224x128xf32, #tpu.memory_space<vmem>>
    %dma_wait3A_126 = tpu.memref_squeeze %dma_wait3A_125 : memref<1x224x128xf32, #tpu.memory_space<vmem>> -> memref<224x128xf32, #tpu.memory_space<vmem>>
    tpu.wait_dma2 semaphore(%arg12 : memref<!tpu.dma_semaphore, #tpu.memory_space<semaphore_mem>>) src(%dma_wait3A_126 : memref<224x128xf32, #tpu.memory_space<vmem>>) dst(%dma_wait3A_122 : memref<224x128xf32, #tpu.memory_space<hbm>>)
    %barrier3A = arith.constant 0 : index
    tpu.barrier barrier_id(%barrier3A)
    %dma_start3A_127 = arith.constant 0 : i32
    %dma_start3A_128 = arith.constant 0 : i32
    %dma_start3A_129 = arith.constant 0 : i32
    %dma_start3A_130 = tpu.memref_slice %arg8[%dma_start3A_128, %dma_start3A_129] : memref<4x112xi32, #tpu.memory_space<vmem>> -> memref<2x112xi32, #tpu.memory_space<vmem>>
    %dma_start3A_131 = arith.constant 0 : i32
    %dma_start3A_132 = arith.constant 0 : i32
    %dma_start3A_133 = tpu.memref_slice %arg3[%add3A_51, %dma_start3A_127, %dma_start3A_131, %dma_start3A_132] : memref<32x56x2x112xi32, #tpu.memory_space<hbm>> -> memref<1x1x2x112xi32, #tpu.memory_space<hbm>>
    %dma_start3A_134 = tpu.memref_squeeze %dma_start3A_133 : memref<1x1x2x112xi32, #tpu.memory_space<hbm>> -> memref<2x112xi32, #tpu.memory_space<hbm>>
    %dma_start3A_135 = arith.constant 0 : i32
    %dma_start3A_136 = arith.constant 0 : i32
    %dma_start3A_137 = tpu.memref_slice %arg8[%dma_start3A_135, %dma_start3A_136] : memref<4x112xi32, #tpu.memory_space<vmem>> -> memref<2x112xi32, #tpu.memory_space<vmem>>
    %dma_start3A_138 = arith.constant 0 : i32
    %dma_start3A_139 = arith.constant 0 : i32
    %dma_start3A_140 = tpu.memref_slice %arg3[%add3A_51, %dma_start3A_127, %dma_start3A_138, %dma_start3A_139] : memref<32x56x2x112xi32, #tpu.memory_space<hbm>> -> memref<1x1x2x112xi32, #tpu.memory_space<hbm>>
    %dma_start3A_141 = tpu.memref_squeeze %dma_start3A_140 : memref<1x1x2x112xi32, #tpu.memory_space<hbm>> -> memref<2x112xi32, #tpu.memory_space<hbm>>
    tpu.enqueue_dma source(%dma_start3A_141 : memref<2x112xi32, #tpu.memory_space<hbm>>) target(%dma_start3A_137 : memref<2x112xi32, #tpu.memory_space<vmem>>) target_semaphore(%arg15 : memref<!tpu.dma_semaphore, #tpu.memory_space<semaphore_mem>>)
    %dma_start3A_142 = arith.constant 1 : i32
    %dma_start3A_143 = arith.constant 2 : i32
    %dma_start3A_144 = arith.constant 0 : i32
    %dma_start3A_145 = tpu.memref_slice %arg8[%dma_start3A_143, %dma_start3A_144] : memref<4x112xi32, #tpu.memory_space<vmem>> -> memref<2x112xi32, #tpu.memory_space<vmem>>
    %dma_start3A_146 = arith.constant 0 : i32
    %dma_start3A_147 = arith.constant 0 : i32
    %dma_start3A_148 = tpu.memref_slice %arg3[%add3A_51, %dma_start3A_142, %dma_start3A_146, %dma_start3A_147] : memref<32x56x2x112xi32, #tpu.memory_space<hbm>> -> memref<1x1x2x112xi32, #tpu.memory_space<hbm>>
    %dma_start3A_149 = tpu.memref_squeeze %dma_start3A_148 : memref<1x1x2x112xi32, #tpu.memory_space<hbm>> -> memref<2x112xi32, #tpu.memory_space<hbm>>
    %dma_start3A_150 = arith.constant 2 : i32
    %dma_start3A_151 = arith.constant 0 : i32
    %dma_start3A_152 = tpu.memref_slice %arg8[%dma_start3A_150, %dma_start3A_151] : memref<4x112xi32, #tpu.memory_space<vmem>> -> memref<2x112xi32, #tpu.memory_space<vmem>>
    %dma_start3A_153 = arith.constant 0 : i32
    %dma_start3A_154 = arith.constant 0 : i32
    %dma_start3A_155 = tpu.memref_slice %arg3[%add3A_51, %dma_start3A_142, %dma_start3A_153, %dma_start3A_154] : memref<32x56x2x112xi32, #tpu.memory_space<hbm>> -> memref<1x1x2x112xi32, #tpu.memory_space<hbm>>
    %dma_start3A_156 = tpu.memref_squeeze %dma_start3A_155 : memref<1x1x2x112xi32, #tpu.memory_space<hbm>> -> memref<2x112xi32, #tpu.memory_space<hbm>>
    tpu.enqueue_dma source(%dma_start3A_156 : memref<2x112xi32, #tpu.memory_space<hbm>>) target(%dma_start3A_152 : memref<2x112xi32, #tpu.memory_space<vmem>>) target_semaphore(%arg16 : memref<!tpu.dma_semaphore, #tpu.memory_space<semaphore_mem>>)
    %dma_wait3A_157 = arith.constant 0 : i32
    %dma_wait3A_158 = arith.constant 0 : i32
    %dma_wait3A_159 = arith.constant 0 : i32
    %dma_wait3A_160 = tpu.memref_slice %arg8[%dma_wait3A_158, %dma_wait3A_159] : memref<4x112xi32, #tpu.memory_space<vmem>> -> memref<2x112xi32, #tpu.memory_space<vmem>>
    %dma_wait3A_161 = arith.constant 0 : i32
    %dma_wait3A_162 = arith.constant 0 : i32
    %dma_wait3A_163 = tpu.memref_slice %arg3[%add3A_51, %dma_wait3A_157, %dma_wait3A_161, %dma_wait3A_162] : memref<32x56x2x112xi32, #tpu.memory_space<hbm>> -> memref<1x1x2x112xi32, #tpu.memory_space<hbm>>
    %dma_wait3A_164 = tpu.memref_squeeze %dma_wait3A_163 : memref<1x1x2x112xi32, #tpu.memory_space<hbm>> -> memref<2x112xi32, #tpu.memory_space<hbm>>
    %dma_wait3A_165 = arith.constant 0 : i32
    %dma_wait3A_166 = arith.constant 0 : i32
    %dma_wait3A_167 = tpu.memref_slice %arg8[%dma_wait3A_165, %dma_wait3A_166] : memref<4x112xi32, #tpu.memory_space<vmem>> -> memref<2x112xi32, #tpu.memory_space<vmem>>
    %dma_wait3A_168 = arith.constant 0 : i32
    %dma_wait3A_169 = arith.constant 0 : i32
    %dma_wait3A_170 = tpu.memref_slice %arg3[%add3A_51, %dma_wait3A_157, %dma_wait3A_168, %dma_wait3A_169] : memref<32x56x2x112xi32, #tpu.memory_space<hbm>> -> memref<1x1x2x112xi32, #tpu.memory_space<hbm>>
    %dma_wait3A_171 = tpu.memref_squeeze %dma_wait3A_170 : memref<1x1x2x112xi32, #tpu.memory_space<hbm>> -> memref<2x112xi32, #tpu.memory_space<hbm>>
    tpu.wait_dma2 semaphore(%arg15 : memref<!tpu.dma_semaphore, #tpu.memory_space<semaphore_mem>>) src(%dma_wait3A_171 : memref<2x112xi32, #tpu.memory_space<hbm>>) dst(%dma_wait3A_167 : memref<2x112xi32, #tpu.memory_space<vmem>>)
    %dma_start3A_172 = arith.constant 0 : i32
    %dma_start3A_173 = arith.constant 0 : i32
    %dma_start3A_174 = arith.constant 0 : i32
    %dma_start3A_175 = arith.constant 0 : i32
    %dma_start3A_176 = tpu.memref_slice %arg7[%dma_start3A_173, %dma_start3A_174, %dma_start3A_175] : memref<2x224x128xf32, #tpu.memory_space<vmem>> -> memref<1x224x128xf32, #tpu.memory_space<vmem>>
    %dma_start3A_177 = tpu.memref_squeeze %dma_start3A_176 : memref<1x224x128xf32, #tpu.memory_space<vmem>> -> memref<224x128xf32, #tpu.memory_space<vmem>>
    %dma_start3A_178 = arith.constant 0 : i32
    %dma_start3A_179 = arith.constant 0 : i32
    %dma_start3A_180 = tpu.memref_slice %dma_start3A_177[%dma_start3A_178, %dma_start3A_179] : memref<224x128xf32, #tpu.memory_space<vmem>> -> memref<112x128xf32, #tpu.memory_space<vmem>>
    %dma_start3A_181 = arith.constant 0 : i32
    %dma_start3A_182 = tpu.memref_slice %arg8[%dma_start3A_172, %dma_start3A_181] : memref<4x112xi32, #tpu.memory_space<vmem>> -> memref<1x112xi32, #tpu.memory_space<vmem>>
    %dma_start3A_183 = tpu.memref_squeeze %dma_start3A_182 : memref<1x112xi32, #tpu.memory_space<vmem>> -> memref<112xi32, #tpu.memory_space<vmem>>
    %dma_start3A_184 = arith.constant 0 : i32
    %dma_start3A_185 = arith.constant 0 : i32
    %dma_start3A_186 = tpu.memref_slice %arg5[%dma_start3A_184, %dma_start3A_185] : memref<401408x128xf32, #tpu.memory_space<hbm>> -> memref<401408x128xf32, #tpu.memory_space<hbm>>
    tpu.enqueue_indirect_dma source(%dma_start3A_186 : memref<401408x128xf32, #tpu.memory_space<hbm>>) target(%dma_start3A_180 : memref<112x128xf32, #tpu.memory_space<vmem>>) offsets(%dma_start3A_183 : memref<112xi32, #tpu.memory_space<vmem>>) semaphore(%arg13 : memref<!tpu.dma_semaphore, #tpu.memory_space<semaphore_mem>>)
    %dma_start3A_187 = arith.constant 1 : i32
    %dma_start3A_188 = arith.constant 0 : i32
    %dma_start3A_189 = arith.constant 0 : i32
    %dma_start3A_190 = arith.constant 0 : i32
    %dma_start3A_191 = tpu.memref_slice %arg7[%dma_start3A_188, %dma_start3A_189, %dma_start3A_190] : memref<2x224x128xf32, #tpu.memory_space<vmem>> -> memref<1x224x128xf32, #tpu.memory_space<vmem>>
    %dma_start3A_192 = tpu.memref_squeeze %dma_start3A_191 : memref<1x224x128xf32, #tpu.memory_space<vmem>> -> memref<224x128xf32, #tpu.memory_space<vmem>>
    %dma_start3A_193 = arith.constant 112 : i32
    %dma_start3A_194 = arith.constant 0 : i32
    %dma_start3A_195 = tpu.memref_slice %dma_start3A_192[%dma_start3A_193, %dma_start3A_194] : memref<224x128xf32, #tpu.memory_space<vmem>> -> memref<112x128xf32, #tpu.memory_space<vmem>>
    %dma_start3A_196 = arith.constant 0 : i32
    %dma_start3A_197 = tpu.memref_slice %arg8[%dma_start3A_187, %dma_start3A_196] : memref<4x112xi32, #tpu.memory_space<vmem>> -> memref<1x112xi32, #tpu.memory_space<vmem>>
    %dma_start3A_198 = tpu.memref_squeeze %dma_start3A_197 : memref<1x112xi32, #tpu.memory_space<vmem>> -> memref<112xi32, #tpu.memory_space<vmem>>
    %dma_start3A_199 = arith.constant 0 : i32
    %dma_start3A_200 = arith.constant 0 : i32
    %dma_start3A_201 = tpu.memref_slice %arg5[%dma_start3A_199, %dma_start3A_200] : memref<401408x128xf32, #tpu.memory_space<hbm>> -> memref<401408x128xf32, #tpu.memory_space<hbm>>
    tpu.enqueue_indirect_dma source(%dma_start3A_201 : memref<401408x128xf32, #tpu.memory_space<hbm>>) target(%dma_start3A_195 : memref<112x128xf32, #tpu.memory_space<vmem>>) offsets(%dma_start3A_198 : memref<112xi32, #tpu.memory_space<vmem>>) semaphore(%arg13 : memref<!tpu.dma_semaphore, #tpu.memory_space<semaphore_mem>>)
    %scan3A_202 = arith.constant 0 : i32
    %scan3A_203 = arith.constant 0 : i32
    %scan3A_204 = arith.constant 28 : i32
    %scan3A_205 = arith.addi %scan3A_203, %scan3A_204 : i32
    %scan3A_206 = arith.constant 1 : i32
    scf.for %scan3A_242 = %scan3A_203 to %scan3A_205 step %scan3A_206  : i32 {
      %mul3A_243 = arith.constant 2 : i32
      %mul3A_244 = arith.muli %mul3A_243, %scan3A_242 : i32
      %add3A_245 = arith.constant 0 : i32
      %add3A_246 = arith.addi %mul3A_244, %add3A_245 : i32
      %add3A_247 = arith.constant 1 : i32
      %add3A_248 = arith.addi %add3A_246, %add3A_247 : i32
      %lt3A_249 = arith.constant 56 : i32
      %lt3A_250 = arith.cmpi slt, %add3A_248, %lt3A_249 : i32
      %convert_element_type3A = arith.extui %lt3A_250 : i1 to i32
      %cond3A = arith.constant 0 : i32
      %cond3A_251 = arith.cmpi ne, %convert_element_type3A, %cond3A : i32
      scf.if %cond3A_251 {
        %dma_wait3A_394 = arith.constant 0 : i32
        %dma_wait3A_395 = arith.constant 2 : i32
        %dma_wait3A_396 = arith.constant 0 : i32
        %dma_wait3A_397 = tpu.memref_slice %arg8[%dma_wait3A_395, %dma_wait3A_396] : memref<4x112xi32, #tpu.memory_space<vmem>> -> memref<2x112xi32, #tpu.memory_space<vmem>>
        %dma_wait3A_398 = arith.constant 0 : i32
        %dma_wait3A_399 = arith.constant 0 : i32
        %dma_wait3A_400 = tpu.memref_slice %arg3[%add3A_51, %dma_wait3A_394, %dma_wait3A_398, %dma_wait3A_399] : memref<32x56x2x112xi32, #tpu.memory_space<hbm>> -> memref<1x1x2x112xi32, #tpu.memory_space<hbm>>
        %dma_wait3A_401 = tpu.memref_squeeze %dma_wait3A_400 : memref<1x1x2x112xi32, #tpu.memory_space<hbm>> -> memref<2x112xi32, #tpu.memory_space<hbm>>
        %dma_wait3A_402 = arith.constant 2 : i32
        %dma_wait3A_403 = arith.constant 0 : i32
        %dma_wait3A_404 = tpu.memref_slice %arg8[%dma_wait3A_402, %dma_wait3A_403] : memref<4x112xi32, #tpu.memory_space<vmem>> -> memref<2x112xi32, #tpu.memory_space<vmem>>
        %dma_wait3A_405 = arith.constant 0 : i32
        %dma_wait3A_406 = arith.constant 0 : i32
        %dma_wait3A_407 = tpu.memref_slice %arg3[%add3A_51, %dma_wait3A_394, %dma_wait3A_405, %dma_wait3A_406] : memref<32x56x2x112xi32, #tpu.memory_space<hbm>> -> memref<1x1x2x112xi32, #tpu.memory_space<hbm>>
        %dma_wait3A_408 = tpu.memref_squeeze %dma_wait3A_407 : memref<1x1x2x112xi32, #tpu.memory_space<hbm>> -> memref<2x112xi32, #tpu.memory_space<hbm>>
        tpu.wait_dma2 semaphore(%arg16 : memref<!tpu.dma_semaphore, #tpu.memory_space<semaphore_mem>>) src(%dma_wait3A_408 : memref<2x112xi32, #tpu.memory_space<hbm>>) dst(%dma_wait3A_404 : memref<2x112xi32, #tpu.memory_space<vmem>>)
        %dma_start3A_409 = arith.constant 2 : i32
        %dma_start3A_410 = arith.constant 1 : i32
        %dma_start3A_411 = arith.constant 0 : i32
        %dma_start3A_412 = arith.constant 0 : i32
        %dma_start3A_413 = tpu.memref_slice %arg7[%dma_start3A_410, %dma_start3A_411, %dma_start3A_412] : memref<2x224x128xf32, #tpu.memory_space<vmem>> -> memref<1x224x128xf32, #tpu.memory_space<vmem>>
        %dma_start3A_414 = tpu.memref_squeeze %dma_start3A_413 : memref<1x224x128xf32, #tpu.memory_space<vmem>> -> memref<224x128xf32, #tpu.memory_space<vmem>>
        %dma_start3A_415 = arith.constant 0 : i32
        %dma_start3A_416 = arith.constant 0 : i32
        %dma_start3A_417 = tpu.memref_slice %dma_start3A_414[%dma_start3A_415, %dma_start3A_416] : memref<224x128xf32, #tpu.memory_space<vmem>> -> memref<112x128xf32, #tpu.memory_space<vmem>>
        %dma_start3A_418 = arith.constant 0 : i32
        %dma_start3A_419 = tpu.memref_slice %arg8[%dma_start3A_409, %dma_start3A_418] : memref<4x112xi32, #tpu.memory_space<vmem>> -> memref<1x112xi32, #tpu.memory_space<vmem>>
        %dma_start3A_420 = tpu.memref_squeeze %dma_start3A_419 : memref<1x112xi32, #tpu.memory_space<vmem>> -> memref<112xi32, #tpu.memory_space<vmem>>
        %dma_start3A_421 = arith.constant 0 : i32
        %dma_start3A_422 = arith.constant 0 : i32
        %dma_start3A_423 = tpu.memref_slice %arg5[%dma_start3A_421, %dma_start3A_422] : memref<401408x128xf32, #tpu.memory_space<hbm>> -> memref<401408x128xf32, #tpu.memory_space<hbm>>
        tpu.enqueue_indirect_dma source(%dma_start3A_423 : memref<401408x128xf32, #tpu.memory_space<hbm>>) target(%dma_start3A_417 : memref<112x128xf32, #tpu.memory_space<vmem>>) offsets(%dma_start3A_420 : memref<112xi32, #tpu.memory_space<vmem>>) semaphore(%arg14 : memref<!tpu.dma_semaphore, #tpu.memory_space<semaphore_mem>>)
        %dma_start3A_424 = arith.constant 3 : i32
        %dma_start3A_425 = arith.constant 1 : i32
        %dma_start3A_426 = arith.constant 0 : i32
        %dma_start3A_427 = arith.constant 0 : i32
        %dma_start3A_428 = tpu.memref_slice %arg7[%dma_start3A_425, %dma_start3A_426, %dma_start3A_427] : memref<2x224x128xf32, #tpu.memory_space<vmem>> -> memref<1x224x128xf32, #tpu.memory_space<vmem>>
        %dma_start3A_429 = tpu.memref_squeeze %dma_start3A_428 : memref<1x224x128xf32, #tpu.memory_space<vmem>> -> memref<224x128xf32, #tpu.memory_space<vmem>>
        %dma_start3A_430 = arith.constant 112 : i32
        %dma_start3A_431 = arith.constant 0 : i32
        %dma_start3A_432 = tpu.memref_slice %dma_start3A_429[%dma_start3A_430, %dma_start3A_431] : memref<224x128xf32, #tpu.memory_space<vmem>> -> memref<112x128xf32, #tpu.memory_space<vmem>>
        %dma_start3A_433 = arith.constant 0 : i32
        %dma_start3A_434 = tpu.memref_slice %arg8[%dma_start3A_424, %dma_start3A_433] : memref<4x112xi32, #tpu.memory_space<vmem>> -> memref<1x112xi32, #tpu.memory_space<vmem>>
        %dma_start3A_435 = tpu.memref_squeeze %dma_start3A_434 : memref<1x112xi32, #tpu.memory_space<vmem>> -> memref<112xi32, #tpu.memory_space<vmem>>
        %dma_start3A_436 = arith.constant 0 : i32
        %dma_start3A_437 = arith.constant 0 : i32
        %dma_start3A_438 = tpu.memref_slice %arg5[%dma_start3A_436, %dma_start3A_437] : memref<401408x128xf32, #tpu.memory_space<hbm>> -> memref<401408x128xf32, #tpu.memory_space<hbm>>
        tpu.enqueue_indirect_dma source(%dma_start3A_438 : memref<401408x128xf32, #tpu.memory_space<hbm>>) target(%dma_start3A_432 : memref<112x128xf32, #tpu.memory_space<vmem>>) offsets(%dma_start3A_435 : memref<112xi32, #tpu.memory_space<vmem>>) semaphore(%arg14 : memref<!tpu.dma_semaphore, #tpu.memory_space<semaphore_mem>>)
      } else {
      }
      %dma_wait3A_252 = arith.constant 0 : i32
      %dma_wait3A_253 = arith.constant 0 : i32
      %dma_wait3A_254 = arith.constant 0 : i32
      %dma_wait3A_255 = arith.constant 0 : i32
      %dma_wait3A_256 = tpu.memref_slice %arg7[%dma_wait3A_253, %dma_wait3A_254, %dma_wait3A_255] : memref<2x224x128xf32, #tpu.memory_space<vmem>> -> memref<1x224x128xf32, #tpu.memory_space<vmem>>
      %dma_wait3A_257 = tpu.memref_squeeze %dma_wait3A_256 : memref<1x224x128xf32, #tpu.memory_space<vmem>> -> memref<224x128xf32, #tpu.memory_space<vmem>>
      %dma_wait3A_258 = arith.constant 0 : i32
      %dma_wait3A_259 = arith.constant 0 : i32
      %dma_wait3A_260 = tpu.memref_slice %dma_wait3A_257[%dma_wait3A_258, %dma_wait3A_259] : memref<224x128xf32, #tpu.memory_space<vmem>> -> memref<112x128xf32, #tpu.memory_space<vmem>>
      %dma_wait3A_261 = arith.constant 0 : i32
      %dma_wait3A_262 = tpu.memref_slice %arg8[%dma_wait3A_252, %dma_wait3A_261] : memref<4x112xi32, #tpu.memory_space<vmem>> -> memref<1x112xi32, #tpu.memory_space<vmem>>
      %dma_wait3A_263 = tpu.memref_squeeze %dma_wait3A_262 : memref<1x112xi32, #tpu.memory_space<vmem>> -> memref<112xi32, #tpu.memory_space<vmem>>
      %dma_wait3A_264 = arith.constant 0 : i32
      %dma_wait3A_265 = arith.constant 0 : i32
      %dma_wait3A_266 = tpu.memref_slice %arg5[%dma_wait3A_264, %dma_wait3A_265] : memref<401408x128xf32, #tpu.memory_space<hbm>> -> memref<401408x128xf32, #tpu.memory_space<hbm>>
      tpu.wait_indirect_dma semaphore(%arg13 : memref<!tpu.dma_semaphore, #tpu.memory_space<semaphore_mem>>) src(%dma_wait3A_266 : memref<401408x128xf32, #tpu.memory_space<hbm>>) dst(%dma_wait3A_260 : memref<112x128xf32, #tpu.memory_space<vmem>>)
      %dma_wait3A_267 = arith.constant 0 : i32
      %dma_wait3A_268 = arith.constant 0 : i32
      %dma_wait3A_269 = arith.constant 0 : i32
      %dma_wait3A_270 = arith.constant 0 : i32
      %dma_wait3A_271 = tpu.memref_slice %arg7[%dma_wait3A_268, %dma_wait3A_269, %dma_wait3A_270] : memref<2x224x128xf32, #tpu.memory_space<vmem>> -> memref<1x224x128xf32, #tpu.memory_space<vmem>>
      %dma_wait3A_272 = tpu.memref_squeeze %dma_wait3A_271 : memref<1x224x128xf32, #tpu.memory_space<vmem>> -> memref<224x128xf32, #tpu.memory_space<vmem>>
      %dma_wait3A_273 = arith.constant 0 : i32
      %dma_wait3A_274 = arith.constant 0 : i32
      %dma_wait3A_275 = tpu.memref_slice %dma_wait3A_272[%dma_wait3A_273, %dma_wait3A_274] : memref<224x128xf32, #tpu.memory_space<vmem>> -> memref<112x128xf32, #tpu.memory_space<vmem>>
      %dma_wait3A_276 = arith.constant 0 : i32
      %dma_wait3A_277 = tpu.memref_slice %arg8[%dma_wait3A_267, %dma_wait3A_276] : memref<4x112xi32, #tpu.memory_space<vmem>> -> memref<1x112xi32, #tpu.memory_space<vmem>>
      %dma_wait3A_278 = tpu.memref_squeeze %dma_wait3A_277 : memref<1x112xi32, #tpu.memory_space<vmem>> -> memref<112xi32, #tpu.memory_space<vmem>>
      %dma_wait3A_279 = arith.constant 0 : i32
      %dma_wait3A_280 = arith.constant 0 : i32
      %dma_wait3A_281 = tpu.memref_slice %arg5[%dma_wait3A_279, %dma_wait3A_280] : memref<401408x128xf32, #tpu.memory_space<hbm>> -> memref<401408x128xf32, #tpu.memory_space<hbm>>
      tpu.wait_indirect_dma semaphore(%arg13 : memref<!tpu.dma_semaphore, #tpu.memory_space<semaphore_mem>>) src(%dma_wait3A_281 : memref<401408x128xf32, #tpu.memory_space<hbm>>) dst(%dma_wait3A_275 : memref<112x128xf32, #tpu.memory_space<vmem>>)
      %ge3A = arith.constant 2 : i32
      %ge3A_282 = arith.cmpi sge, %add3A_246, %ge3A : i32
      %convert_element_type3A_283 = arith.extui %ge3A_282 : i1 to i32
      %cond3A_284 = arith.constant 0 : i32
      %cond3A_285 = arith.cmpi ne, %convert_element_type3A_283, %cond3A_284 : i32
      scf.if %cond3A_285 {
        %dma_wait3A_394 = arith.constant 0 : i32
        %dma_wait3A_395 = arith.constant 0 : i32
        %dma_wait3A_396 = arith.constant 0 : i32
        %dma_wait3A_397 = tpu.memref_slice %arg6[%dma_wait3A_394, %dma_wait3A_395, %dma_wait3A_396] : memref<2x224x96xf32, #tpu.memory_space<vmem>> -> memref<1x224x96xf32, #tpu.memory_space<vmem>>
        %dma_wait3A_398 = tpu.memref_squeeze %dma_wait3A_397 : memref<1x224x96xf32, #tpu.memory_space<vmem>> -> memref<224x96xf32, #tpu.memory_space<vmem>>
        %dma_wait3A_399 = arith.constant 0 : i32
        %dma_wait3A_400 = arith.constant 0 : i32
        %dma_wait3A_401 = tpu.memref_slice %arg4[%add3A, %mul3A_32, %dma_wait3A_399, %dma_wait3A_400] : memref<8x224x224x96xf32, #tpu.memory_space<hbm>> -> memref<1x1x224x96xf32, #tpu.memory_space<hbm>>
        %dma_wait3A_402 = tpu.memref_squeeze %dma_wait3A_401 : memref<1x1x224x96xf32, #tpu.memory_space<hbm>> -> memref<224x96xf32, #tpu.memory_space<hbm>>
        %dma_wait3A_403 = arith.constant 0 : i32
        %dma_wait3A_404 = arith.constant 0 : i32
        %dma_wait3A_405 = tpu.memref_slice %arg4[%add3A, %mul3A_32, %dma_wait3A_403, %dma_wait3A_404] : memref<8x224x224x96xf32, #tpu.memory_space<hbm>> -> memref<1x1x224x96xf32, #tpu.memory_space<hbm>>
        %dma_wait3A_406 = tpu.memref_squeeze %dma_wait3A_405 : memref<1x1x224x96xf32, #tpu.memory_space<hbm>> -> memref<224x96xf32, #tpu.memory_space<hbm>>
        %dma_wait3A_407 = arith.constant 0 : i32
        %dma_wait3A_408 = arith.constant 0 : i32
        %dma_wait3A_409 = tpu.memref_slice %arg6[%dma_wait3A_394, %dma_wait3A_407, %dma_wait3A_408] : memref<2x224x96xf32, #tpu.memory_space<vmem>> -> memref<1x224x96xf32, #tpu.memory_space<vmem>>
        %dma_wait3A_410 = tpu.memref_squeeze %dma_wait3A_409 : memref<1x224x96xf32, #tpu.memory_space<vmem>> -> memref<224x96xf32, #tpu.memory_space<vmem>>
        tpu.wait_dma2 semaphore(%arg11 : memref<!tpu.dma_semaphore, #tpu.memory_space<semaphore_mem>>) src(%dma_wait3A_410 : memref<224x96xf32, #tpu.memory_space<vmem>>) dst(%dma_wait3A_406 : memref<224x96xf32, #tpu.memory_space<hbm>>)
      } else {
      }
      %scan3A_286 = arith.constant 0 : i32
      %scan3A_287 = arith.constant 0 : i32
      %scan3A_288 = arith.constant 224 : i32
      %scan3A_289 = arith.addi %scan3A_287, %scan3A_288 : i32
      %scan3A_290 = arith.constant 1 : i32
      scf.for %scan3A_394 = %scan3A_287 to %scan3A_289 step %scan3A_290  : i32 {
        %get3A = arith.constant 0 : i32
        %get3A_395 = arith.index_cast %get3A : i32 to index
        %get3A_396 = arith.index_cast %scan3A_394 : i32 to index
        %get3A_397 = arith.constant 0 : index
        %get3A_398 = tpu.vector_load %arg7[%get3A_395, %get3A_396, %get3A_397] {strides = array<i32>} : memref<2x224x128xf32, #tpu.memory_space<vmem>>, vector<1x1x16xf32>,
        %get3A_399 = vector.shape_cast %get3A_398 : vector<1x1x16xf32> to vector<16xf32>
        %swap3A = arith.constant 0 : i32
        %swap3A_400 = arith.index_cast %swap3A : i32 to index
        %swap3A_401 = arith.index_cast %scan3A_394 : i32 to index
        %swap3A_402 = arith.constant 0 : index
        %swap3A_403 = tpu.vector_load %arg6[%swap3A_400, %swap3A_401, %swap3A_402] {strides = array<i32>} : memref<2x224x96xf32, #tpu.memory_space<vmem>>, vector<1x1x16xf32>,
        %swap3A_404 = vector.shape_cast %swap3A_403 : vector<1x1x16xf32> to vector<16xf32>
        %swap3A_405 = vector.shape_cast %get3A_399 : vector<16xf32> to vector<1x1x16xf32>
        tpu.vector_store %arg6[%swap3A_400, %swap3A_401, %swap3A_402], %swap3A_405 {strides = array<i32>} : memref<2x224x96xf32, #tpu.memory_space<vmem>>, vector<1x1x16xf32>,
        %get3A_406 = arith.constant 0 : i32
        %get3A_407 = arith.index_cast %get3A_406 : i32 to index
        %get3A_408 = arith.index_cast %scan3A_394 : i32 to index
        %get3A_409 = arith.constant 16 : index
        %get3A_410 = tpu.vector_load %arg7[%get3A_407, %get3A_408, %get3A_409] {strides = array<i32>} : memref<2x224x128xf32, #tpu.memory_space<vmem>>, vector<1x1x16xf32>,
        %get3A_411 = vector.shape_cast %get3A_410 : vector<1x1x16xf32> to vector<16xf32>
        %swap3A_412 = arith.constant 0 : i32
        %swap3A_413 = arith.index_cast %swap3A_412 : i32 to index
        %swap3A_414 = arith.index_cast %scan3A_394 : i32 to index
        %swap3A_415 = arith.constant 16 : index
        %swap3A_416 = tpu.vector_load %arg6[%swap3A_413, %swap3A_414, %swap3A_415] {strides = array<i32>} : memref<2x224x96xf32, #tpu.memory_space<vmem>>, vector<1x1x16xf32>,
        %swap3A_417 = vector.shape_cast %swap3A_416 : vector<1x1x16xf32> to vector<16xf32>
        %swap3A_418 = vector.shape_cast %get3A_411 : vector<16xf32> to vector<1x1x16xf32>
        tpu.vector_store %arg6[%swap3A_413, %swap3A_414, %swap3A_415], %swap3A_418 {strides = array<i32>} : memref<2x224x96xf32, #tpu.memory_space<vmem>>, vector<1x1x16xf32>,
        %get3A_419 = arith.constant 0 : i32
        %get3A_420 = arith.index_cast %get3A_419 : i32 to index
        %get3A_421 = arith.index_cast %scan3A_394 : i32 to index
        %get3A_422 = arith.constant 32 : index
        %get3A_423 = tpu.vector_load %arg7[%get3A_420, %get3A_421, %get3A_422] {strides = array<i32>} : memref<2x224x128xf32, #tpu.memory_space<vmem>>, vector<1x1x16xf32>,
        %get3A_424 = vector.shape_cast %get3A_423 : vector<1x1x16xf32> to vector<16xf32>
        %swap3A_425 = arith.constant 0 : i32
        %swap3A_426 = arith.index_cast %swap3A_425 : i32 to index
        %swap3A_427 = arith.index_cast %scan3A_394 : i32 to index
        %swap3A_428 = arith.constant 32 : index
        %swap3A_429 = tpu.vector_load %arg6[%swap3A_426, %swap3A_427, %swap3A_428] {strides = array<i32>} : memref<2x224x96xf32, #tpu.memory_space<vmem>>, vector<1x1x16xf32>,
        %swap3A_430 = vector.shape_cast %swap3A_429 : vector<1x1x16xf32> to vector<16xf32>
        %swap3A_431 = vector.shape_cast %get3A_424 : vector<16xf32> to vector<1x1x16xf32>
        tpu.vector_store %arg6[%swap3A_426, %swap3A_427, %swap3A_428], %swap3A_431 {strides = array<i32>} : memref<2x224x96xf32, #tpu.memory_space<vmem>>, vector<1x1x16xf32>,
        %get3A_432 = arith.constant 0 : i32
        %get3A_433 = arith.index_cast %get3A_432 : i32 to index
        %get3A_434 = arith.index_cast %scan3A_394 : i32 to index
        %get3A_435 = arith.constant 48 : index
        %get3A_436 = tpu.vector_load %arg7[%get3A_433, %get3A_434, %get3A_435] {strides = array<i32>} : memref<2x224x128xf32, #tpu.memory_space<vmem>>, vector<1x1x16xf32>,
        %get3A_437 = vector.shape_cast %get3A_436 : vector<1x1x16xf32> to vector<16xf32>
        %swap3A_438 = arith.constant 0 : i32
        %swap3A_439 = arith.index_cast %swap3A_438 : i32 to index
        %swap3A_440 = arith.index_cast %scan3A_394 : i32 to index
        %swap3A_441 = arith.constant 48 : index
        %swap3A_442 = tpu.vector_load %arg6[%swap3A_439, %swap3A_440, %swap3A_441] {strides = array<i32>} : memref<2x224x96xf32, #tpu.memory_space<vmem>>, vector<1x1x16xf32>,
        %swap3A_443 = vector.shape_cast %swap3A_442 : vector<1x1x16xf32> to vector<16xf32>
        %swap3A_444 = vector.shape_cast %get3A_437 : vector<16xf32> to vector<1x1x16xf32>
        tpu.vector_store %arg6[%swap3A_439, %swap3A_440, %swap3A_441], %swap3A_444 {strides = array<i32>} : memref<2x224x96xf32, #tpu.memory_space<vmem>>, vector<1x1x16xf32>,
        %get3A_445 = arith.constant 0 : i32
        %get3A_446 = arith.index_cast %get3A_445 : i32 to index
        %get3A_447 = arith.index_cast %scan3A_394 : i32 to index
        %get3A_448 = arith.constant 64 : index
        %get3A_449 = tpu.vector_load %arg7[%get3A_446, %get3A_447, %get3A_448] {strides = array<i32>} : memref<2x224x128xf32, #tpu.memory_space<vmem>>, vector<1x1x16xf32>,
        %get3A_450 = vector.shape_cast %get3A_449 : vector<1x1x16xf32> to vector<16xf32>
        %swap3A_451 = arith.constant 0 : i32
        %swap3A_452 = arith.index_cast %swap3A_451 : i32 to index
        %swap3A_453 = arith.index_cast %scan3A_394 : i32 to index
        %swap3A_454 = arith.constant 64 : index
        %swap3A_455 = tpu.vector_load %arg6[%swap3A_452, %swap3A_453, %swap3A_454] {strides = array<i32>} : memref<2x224x96xf32, #tpu.memory_space<vmem>>, vector<1x1x16xf32>,
        %swap3A_456 = vector.shape_cast %swap3A_455 : vector<1x1x16xf32> to vector<16xf32>
        %swap3A_457 = vector.shape_cast %get3A_450 : vector<16xf32> to vector<1x1x16xf32>
        tpu.vector_store %arg6[%swap3A_452, %swap3A_453, %swap3A_454], %swap3A_457 {strides = array<i32>} : memref<2x224x96xf32, #tpu.memory_space<vmem>>, vector<1x1x16xf32>,
        %get3A_458 = arith.constant 0 : i32
        %get3A_459 = arith.index_cast %get3A_458 : i32 to index
        %get3A_460 = arith.index_cast %scan3A_394 : i32 to index
        %get3A_461 = arith.constant 80 : index
        %get3A_462 = tpu.vector_load %arg7[%get3A_459, %get3A_460, %get3A_461] {strides = array<i32>} : memref<2x224x128xf32, #tpu.memory_space<vmem>>, vector<1x1x16xf32>,
        %get3A_463 = vector.shape_cast %get3A_462 : vector<1x1x16xf32> to vector<16xf32>
        %swap3A_464 = arith.constant 0 : i32
        %swap3A_465 = arith.index_cast %swap3A_464 : i32 to index
        %swap3A_466 = arith.index_cast %scan3A_394 : i32 to index
        %swap3A_467 = arith.constant 80 : index
        %swap3A_468 = tpu.vector_load %arg6[%swap3A_465, %swap3A_466, %swap3A_467] {strides = array<i32>} : memref<2x224x96xf32, #tpu.memory_space<vmem>>, vector<1x1x16xf32>,
        %swap3A_469 = vector.shape_cast %swap3A_468 : vector<1x1x16xf32> to vector<16xf32>
        %swap3A_470 = vector.shape_cast %get3A_463 : vector<16xf32> to vector<1x1x16xf32>
        tpu.vector_store %arg6[%swap3A_465, %swap3A_466, %swap3A_467], %swap3A_470 {strides = array<i32>} : memref<2x224x96xf32, #tpu.memory_space<vmem>>, vector<1x1x16xf32>,
      }
      %scan3A_291 = arith.constant 224 : i32
      %add3A_292 = arith.addi %mul3A_32, %add3A_246 : i32
      %dma_start3A_293 = arith.constant 0 : i32
      %dma_start3A_294 = arith.constant 0 : i32
      %dma_start3A_295 = arith.constant 0 : i32
      %dma_start3A_296 = tpu.memref_slice %arg6[%dma_start3A_293, %dma_start3A_294, %dma_start3A_295] : memref<2x224x96xf32, #tpu.memory_space<vmem>> -> memref<1x224x96xf32, #tpu.memory_space<vmem>>
      %dma_start3A_297 = tpu.memref_squeeze %dma_start3A_296 : memref<1x224x96xf32, #tpu.memory_space<vmem>> -> memref<224x96xf32, #tpu.memory_space<vmem>>
      %dma_start3A_298 = arith.constant 0 : i32
      %dma_start3A_299 = arith.constant 0 : i32
      %dma_start3A_300 = tpu.memref_slice %arg4[%add3A, %add3A_292, %dma_start3A_298, %dma_start3A_299] : memref<8x224x224x96xf32, #tpu.memory_space<hbm>> -> memref<1x1x224x96xf32, #tpu.memory_space<hbm>>
      %dma_start3A_301 = tpu.memref_squeeze %dma_start3A_300 : memref<1x1x224x96xf32, #tpu.memory_space<hbm>> -> memref<224x96xf32, #tpu.memory_space<hbm>>
      %dma_start3A_302 = arith.constant 0 : i32
      %dma_start3A_303 = arith.constant 0 : i32
      %dma_start3A_304 = tpu.memref_slice %arg4[%add3A, %add3A_292, %dma_start3A_302, %dma_start3A_303] : memref<8x224x224x96xf32, #tpu.memory_space<hbm>> -> memref<1x1x224x96xf32, #tpu.memory_space<hbm>>
      %dma_start3A_305 = tpu.memref_squeeze %dma_start3A_304 : memref<1x1x224x96xf32, #tpu.memory_space<hbm>> -> memref<224x96xf32, #tpu.memory_space<hbm>>
      %dma_start3A_306 = arith.constant 0 : i32
      %dma_start3A_307 = arith.constant 0 : i32
      %dma_start3A_308 = tpu.memref_slice %arg6[%dma_start3A_293, %dma_start3A_306, %dma_start3A_307] : memref<2x224x96xf32, #tpu.memory_space<vmem>> -> memref<1x224x96xf32, #tpu.memory_space<vmem>>
      %dma_start3A_309 = tpu.memref_squeeze %dma_start3A_308 : memref<1x224x96xf32, #tpu.memory_space<vmem>> -> memref<224x96xf32, #tpu.memory_space<vmem>>
      tpu.enqueue_dma source(%dma_start3A_309 : memref<224x96xf32, #tpu.memory_space<vmem>>) target(%dma_start3A_305 : memref<224x96xf32, #tpu.memory_space<hbm>>) target_semaphore(%arg11 : memref<!tpu.dma_semaphore, #tpu.memory_space<semaphore_mem>>)
      %add3A_310 = arith.constant 2 : i32
      %add3A_311 = arith.addi %add3A_246, %add3A_310 : i32
      %lt3A_312 = arith.constant 56 : i32
      %lt3A_313 = arith.cmpi slt, %add3A_311, %lt3A_312 : i32
      %convert_element_type3A_314 = arith.extui %lt3A_313 : i1 to i32
      %cond3A_315 = arith.constant 0 : i32
      %cond3A_316 = arith.cmpi ne, %convert_element_type3A_314, %cond3A_315 : i32
      scf.if %cond3A_316 {
        %add3A_394 = arith.constant 2 : i32
        %add3A_395 = arith.addi %add3A_246, %add3A_394 : i32
        %dma_start3A_396 = arith.constant 0 : i32
        %dma_start3A_397 = arith.constant 0 : i32
        %dma_start3A_398 = tpu.memref_slice %arg8[%dma_start3A_396, %dma_start3A_397] : memref<4x112xi32, #tpu.memory_space<vmem>> -> memref<2x112xi32, #tpu.memory_space<vmem>>
        %dma_start3A_399 = arith.constant 0 : i32
        %dma_start3A_400 = arith.constant 0 : i32
        %dma_start3A_401 = tpu.memref_slice %arg3[%add3A_51, %add3A_395, %dma_start3A_399, %dma_start3A_400] : memref<32x56x2x112xi32, #tpu.memory_space<hbm>> -> memref<1x1x2x112xi32, #tpu.memory_space<hbm>>
        %dma_start3A_402 = tpu.memref_squeeze %dma_start3A_401 : memref<1x1x2x112xi32, #tpu.memory_space<hbm>> -> memref<2x112xi32, #tpu.memory_space<hbm>>
        %dma_start3A_403 = arith.constant 0 : i32
        %dma_start3A_404 = arith.constant 0 : i32
        %dma_start3A_405 = tpu.memref_slice %arg8[%dma_start3A_403, %dma_start3A_404] : memref<4x112xi32, #tpu.memory_space<vmem>> -> memref<2x112xi32, #tpu.memory_space<vmem>>
        %dma_start3A_406 = arith.constant 0 : i32
        %dma_start3A_407 = arith.constant 0 : i32
        %dma_start3A_408 = tpu.memref_slice %arg3[%add3A_51, %add3A_395, %dma_start3A_406, %dma_start3A_407] : memref<32x56x2x112xi32, #tpu.memory_space<hbm>> -> memref<1x1x2x112xi32, #tpu.memory_space<hbm>>
        %dma_start3A_409 = tpu.memref_squeeze %dma_start3A_408 : memref<1x1x2x112xi32, #tpu.memory_space<hbm>> -> memref<2x112xi32, #tpu.memory_space<hbm>>
        tpu.enqueue_dma source(%dma_start3A_409 : memref<2x112xi32, #tpu.memory_space<hbm>>) target(%dma_start3A_405 : memref<2x112xi32, #tpu.memory_space<vmem>>) target_semaphore(%arg15 : memref<!tpu.dma_semaphore, #tpu.memory_space<semaphore_mem>>)
      } else {
      }
      %mul3A_317 = arith.constant 2 : i32
      %mul3A_318 = arith.muli %mul3A_317, %scan3A_242 : i32
      %add3A_319 = arith.constant 1 : i32
      %add3A_320 = arith.addi %mul3A_318, %add3A_319 : i32
      %add3A_321 = arith.constant 1 : i32
      %add3A_322 = arith.addi %add3A_320, %add3A_321 : i32
      %lt3A_323 = arith.constant 56 : i32
      %lt3A_324 = arith.cmpi slt, %add3A_322, %lt3A_323 : i32
      %convert_element_type3A_325 = arith.extui %lt3A_324 : i1 to i32
      %cond3A_326 = arith.constant 0 : i32
      %cond3A_327 = arith.cmpi ne, %convert_element_type3A_325, %cond3A_326 : i32
      scf.if %cond3A_327 {
        %dma_wait3A_394 = arith.constant 0 : i32
        %dma_wait3A_395 = arith.constant 0 : i32
        %dma_wait3A_396 = arith.constant 0 : i32
        %dma_wait3A_397 = tpu.memref_slice %arg8[%dma_wait3A_395, %dma_wait3A_396] : memref<4x112xi32, #tpu.memory_space<vmem>> -> memref<2x112xi32, #tpu.memory_space<vmem>>
        %dma_wait3A_398 = arith.constant 0 : i32
        %dma_wait3A_399 = arith.constant 0 : i32
        %dma_wait3A_400 = tpu.memref_slice %arg3[%add3A_51, %dma_wait3A_394, %dma_wait3A_398, %dma_wait3A_399] : memref<32x56x2x112xi32, #tpu.memory_space<hbm>> -> memref<1x1x2x112xi32, #tpu.memory_space<hbm>>
        %dma_wait3A_401 = tpu.memref_squeeze %dma_wait3A_400 : memref<1x1x2x112xi32, #tpu.memory_space<hbm>> -> memref<2x112xi32, #tpu.memory_space<hbm>>
        %dma_wait3A_402 = arith.constant 0 : i32
        %dma_wait3A_403 = arith.constant 0 : i32
        %dma_wait3A_404 = tpu.memref_slice %arg8[%dma_wait3A_402, %dma_wait3A_403] : memref<4x112xi32, #tpu.memory_space<vmem>> -> memref<2x112xi32, #tpu.memory_space<vmem>>
        %dma_wait3A_405 = arith.constant 0 : i32
        %dma_wait3A_406 = arith.constant 0 : i32
        %dma_wait3A_407 = tpu.memref_slice %arg3[%add3A_51, %dma_wait3A_394, %dma_wait3A_405, %dma_wait3A_406] : memref<32x56x2x112xi32, #tpu.memory_space<hbm>> -> memref<1x1x2x112xi32, #tpu.memory_space<hbm>>
        %dma_wait3A_408 = tpu.memref_squeeze %dma_wait3A_407 : memref<1x1x2x112xi32, #tpu.memory_space<hbm>> -> memref<2x112xi32, #tpu.memory_space<hbm>>
        tpu.wait_dma2 semaphore(%arg15 : memref<!tpu.dma_semaphore, #tpu.memory_space<semaphore_mem>>) src(%dma_wait3A_408 : memref<2x112xi32, #tpu.memory_space<hbm>>) dst(%dma_wait3A_404 : memref<2x112xi32, #tpu.memory_space<vmem>>)
        %dma_start3A_409 = arith.constant 0 : i32
        %dma_start3A_410 = arith.constant 0 : i32
        %dma_start3A_411 = arith.constant 0 : i32
        %dma_start3A_412 = arith.constant 0 : i32
        %dma_start3A_413 = tpu.memref_slice %arg7[%dma_start3A_410, %dma_start3A_411, %dma_start3A_412] : memref<2x224x128xf32, #tpu.memory_space<vmem>> -> memref<1x224x128xf32, #tpu.memory_space<vmem>>
        %dma_start3A_414 = tpu.memref_squeeze %dma_start3A_413 : memref<1x224x128xf32, #tpu.memory_space<vmem>> -> memref<224x128xf32, #tpu.memory_space<vmem>>
        %dma_start3A_415 = arith.constant 0 : i32
        %dma_start3A_416 = arith.constant 0 : i32
        %dma_start3A_417 = tpu.memref_slice %dma_start3A_414[%dma_start3A_415, %dma_start3A_416] : memref<224x128xf32, #tpu.memory_space<vmem>> -> memref<112x128xf32, #tpu.memory_space<vmem>>
        %dma_start3A_418 = arith.constant 0 : i32
        %dma_start3A_419 = tpu.memref_slice %arg8[%dma_start3A_409, %dma_start3A_418] : memref<4x112xi32, #tpu.memory_space<vmem>> -> memref<1x112xi32, #tpu.memory_space<vmem>>
        %dma_start3A_420 = tpu.memref_squeeze %dma_start3A_419 : memref<1x112xi32, #tpu.memory_space<vmem>> -> memref<112xi32, #tpu.memory_space<vmem>>
        %dma_start3A_421 = arith.constant 0 : i32
        %dma_start3A_422 = arith.constant 0 : i32
        %dma_start3A_423 = tpu.memref_slice %arg5[%dma_start3A_421, %dma_start3A_422] : memref<401408x128xf32, #tpu.memory_space<hbm>> -> memref<401408x128xf32, #tpu.memory_space<hbm>>
        tpu.enqueue_indirect_dma source(%dma_start3A_423 : memref<401408x128xf32, #tpu.memory_space<hbm>>) target(%dma_start3A_417 : memref<112x128xf32, #tpu.memory_space<vmem>>) offsets(%dma_start3A_420 : memref<112xi32, #tpu.memory_space<vmem>>) semaphore(%arg13 : memref<!tpu.dma_semaphore, #tpu.memory_space<semaphore_mem>>)
        %dma_start3A_424 = arith.constant 1 : i32
        %dma_start3A_425 = arith.constant 0 : i32
        %dma_start3A_426 = arith.constant 0 : i32
        %dma_start3A_427 = arith.constant 0 : i32
        %dma_start3A_428 = tpu.memref_slice %arg7[%dma_start3A_425, %dma_start3A_426, %dma_start3A_427] : memref<2x224x128xf32, #tpu.memory_space<vmem>> -> memref<1x224x128xf32, #tpu.memory_space<vmem>>
        %dma_start3A_429 = tpu.memref_squeeze %dma_start3A_428 : memref<1x224x128xf32, #tpu.memory_space<vmem>> -> memref<224x128xf32, #tpu.memory_space<vmem>>
        %dma_start3A_430 = arith.constant 112 : i32
        %dma_start3A_431 = arith.constant 0 : i32
        %dma_start3A_432 = tpu.memref_slice %dma_start3A_429[%dma_start3A_430, %dma_start3A_431] : memref<224x128xf32, #tpu.memory_space<vmem>> -> memref<112x128xf32, #tpu.memory_space<vmem>>
        %dma_start3A_433 = arith.constant 0 : i32
        %dma_start3A_434 = tpu.memref_slice %arg8[%dma_start3A_424, %dma_start3A_433] : memref<4x112xi32, #tpu.memory_space<vmem>> -> memref<1x112xi32, #tpu.memory_space<vmem>>
        %dma_start3A_435 = tpu.memref_squeeze %dma_start3A_434 : memref<1x112xi32, #tpu.memory_space<vmem>> -> memref<112xi32, #tpu.memory_space<vmem>>
        %dma_start3A_436 = arith.constant 0 : i32
        %dma_start3A_437 = arith.constant 0 : i32
        %dma_start3A_438 = tpu.memref_slice %arg5[%dma_start3A_436, %dma_start3A_437] : memref<401408x128xf32, #tpu.memory_space<hbm>> -> memref<401408x128xf32, #tpu.memory_space<hbm>>
        tpu.enqueue_indirect_dma source(%dma_start3A_438 : memref<401408x128xf32, #tpu.memory_space<hbm>>) target(%dma_start3A_432 : memref<112x128xf32, #tpu.memory_space<vmem>>) offsets(%dma_start3A_435 : memref<112xi32, #tpu.memory_space<vmem>>) semaphore(%arg13 : memref<!tpu.dma_semaphore, #tpu.memory_space<semaphore_mem>>)
      } else {
      }
      %dma_wait3A_328 = arith.constant 2 : i32
      %dma_wait3A_329 = arith.constant 1 : i32
      %dma_wait3A_330 = arith.constant 0 : i32
      %dma_wait3A_331 = arith.constant 0 : i32
      %dma_wait3A_332 = tpu.memref_slice %arg7[%dma_wait3A_329, %dma_wait3A_330, %dma_wait3A_331] : memref<2x224x128xf32, #tpu.memory_space<vmem>> -> memref<1x224x128xf32, #tpu.memory_space<vmem>>
      %dma_wait3A_333 = tpu.memref_squeeze %dma_wait3A_332 : memref<1x224x128xf32, #tpu.memory_space<vmem>> -> memref<224x128xf32, #tpu.memory_space<vmem>>
      %dma_wait3A_334 = arith.constant 0 : i32
      %dma_wait3A_335 = arith.constant 0 : i32
      %dma_wait3A_336 = tpu.memref_slice %dma_wait3A_333[%dma_wait3A_334, %dma_wait3A_335] : memref<224x128xf32, #tpu.memory_space<vmem>> -> memref<112x128xf32, #tpu.memory_space<vmem>>
      %dma_wait3A_337 = arith.constant 0 : i32
      %dma_wait3A_338 = tpu.memref_slice %arg8[%dma_wait3A_328, %dma_wait3A_337] : memref<4x112xi32, #tpu.memory_space<vmem>> -> memref<1x112xi32, #tpu.memory_space<vmem>>
      %dma_wait3A_339 = tpu.memref_squeeze %dma_wait3A_338 : memref<1x112xi32, #tpu.memory_space<vmem>> -> memref<112xi32, #tpu.memory_space<vmem>>
      %dma_wait3A_340 = arith.constant 0 : i32
      %dma_wait3A_341 = arith.constant 0 : i32
      %dma_wait3A_342 = tpu.memref_slice %arg5[%dma_wait3A_340, %dma_wait3A_341] : memref<401408x128xf32, #tpu.memory_space<hbm>> -> memref<401408x128xf32, #tpu.memory_space<hbm>>
      tpu.wait_indirect_dma semaphore(%arg14 : memref<!tpu.dma_semaphore, #tpu.memory_space<semaphore_mem>>) src(%dma_wait3A_342 : memref<401408x128xf32, #tpu.memory_space<hbm>>) dst(%dma_wait3A_336 : memref<112x128xf32, #tpu.memory_space<vmem>>)
      %dma_wait3A_343 = arith.constant 2 : i32
      %dma_wait3A_344 = arith.constant 1 : i32
      %dma_wait3A_345 = arith.constant 0 : i32
      %dma_wait3A_346 = arith.constant 0 : i32
      %dma_wait3A_347 = tpu.memref_slice %arg7[%dma_wait3A_344, %dma_wait3A_345, %dma_wait3A_346] : memref<2x224x128xf32, #tpu.memory_space<vmem>> -> memref<1x224x128xf32, #tpu.memory_space<vmem>>
      %dma_wait3A_348 = tpu.memref_squeeze %dma_wait3A_347 : memref<1x224x128xf32, #tpu.memory_space<vmem>> -> memref<224x128xf32, #tpu.memory_space<vmem>>
      %dma_wait3A_349 = arith.constant 0 : i32
      %dma_wait3A_350 = arith.constant 0 : i32
      %dma_wait3A_351 = tpu.memref_slice %dma_wait3A_348[%dma_wait3A_349, %dma_wait3A_350] : memref<224x128xf32, #tpu.memory_space<vmem>> -> memref<112x128xf32, #tpu.memory_space<vmem>>
      %dma_wait3A_352 = arith.constant 0 : i32
      %dma_wait3A_353 = tpu.memref_slice %arg8[%dma_wait3A_343, %dma_wait3A_352] : memref<4x112xi32, #tpu.memory_space<vmem>> -> memref<1x112xi32, #tpu.memory_space<vmem>>
      %dma_wait3A_354 = tpu.memref_squeeze %dma_wait3A_353 : memref<1x112xi32, #tpu.memory_space<vmem>> -> memref<112xi32, #tpu.memory_space<vmem>>
      %dma_wait3A_355 = arith.constant 0 : i32
      %dma_wait3A_356 = arith.constant 0 : i32
      %dma_wait3A_357 = tpu.memref_slice %arg5[%dma_wait3A_355, %dma_wait3A_356] : memref<401408x128xf32, #tpu.memory_space<hbm>> -> memref<401408x128xf32, #tpu.memory_space<hbm>>
      tpu.wait_indirect_dma semaphore(%arg14 : memref<!tpu.dma_semaphore, #tpu.memory_space<semaphore_mem>>) src(%dma_wait3A_357 : memref<401408x128xf32, #tpu.memory_space<hbm>>) dst(%dma_wait3A_351 : memref<112x128xf32, #tpu.memory_space<vmem>>)
      %ge3A_358 = arith.constant 2 : i32
      %ge3A_359 = arith.cmpi sge, %add3A_320, %ge3A_358 : i32
      %convert_element_type3A_360 = arith.extui %ge3A_359 : i1 to i32
      %cond3A_361 = arith.constant 0 : i32
      %cond3A_362 = arith.cmpi ne, %convert_element_type3A_360, %cond3A_361 : i32
      scf.if %cond3A_362 {
        %dma_wait3A_394 = arith.constant 1 : i32
        %dma_wait3A_395 = arith.constant 0 : i32
        %dma_wait3A_396 = arith.constant 0 : i32
        %dma_wait3A_397 = tpu.memref_slice %arg6[%dma_wait3A_394, %dma_wait3A_395, %dma_wait3A_396] : memref<2x224x96xf32, #tpu.memory_space<vmem>> -> memref<1x224x96xf32, #tpu.memory_space<vmem>>
        %dma_wait3A_398 = tpu.memref_squeeze %dma_wait3A_397 : memref<1x224x96xf32, #tpu.memory_space<vmem>> -> memref<224x96xf32, #tpu.memory_space<vmem>>
        %dma_wait3A_399 = arith.constant 0 : i32
        %dma_wait3A_400 = arith.constant 0 : i32
        %dma_wait3A_401 = tpu.memref_slice %arg4[%add3A, %mul3A_32, %dma_wait3A_399, %dma_wait3A_400] : memref<8x224x224x96xf32, #tpu.memory_space<hbm>> -> memref<1x1x224x96xf32, #tpu.memory_space<hbm>>
        %dma_wait3A_402 = tpu.memref_squeeze %dma_wait3A_401 : memref<1x1x224x96xf32, #tpu.memory_space<hbm>> -> memref<224x96xf32, #tpu.memory_space<hbm>>
        %dma_wait3A_403 = arith.constant 0 : i32
        %dma_wait3A_404 = arith.constant 0 : i32
        %dma_wait3A_405 = tpu.memref_slice %arg4[%add3A, %mul3A_32, %dma_wait3A_403, %dma_wait3A_404] : memref<8x224x224x96xf32, #tpu.memory_space<hbm>> -> memref<1x1x224x96xf32, #tpu.memory_space<hbm>>
        %dma_wait3A_406 = tpu.memref_squeeze %dma_wait3A_405 : memref<1x1x224x96xf32, #tpu.memory_space<hbm>> -> memref<224x96xf32, #tpu.memory_space<hbm>>
        %dma_wait3A_407 = arith.constant 0 : i32
        %dma_wait3A_408 = arith.constant 0 : i32
        %dma_wait3A_409 = tpu.memref_slice %arg6[%dma_wait3A_394, %dma_wait3A_407, %dma_wait3A_408] : memref<2x224x96xf32, #tpu.memory_space<vmem>> -> memref<1x224x96xf32, #tpu.memory_space<vmem>>
        %dma_wait3A_410 = tpu.memref_squeeze %dma_wait3A_409 : memref<1x224x96xf32, #tpu.memory_space<vmem>> -> memref<224x96xf32, #tpu.memory_space<vmem>>
        tpu.wait_dma2 semaphore(%arg12 : memref<!tpu.dma_semaphore, #tpu.memory_space<semaphore_mem>>) src(%dma_wait3A_410 : memref<224x96xf32, #tpu.memory_space<vmem>>) dst(%dma_wait3A_406 : memref<224x96xf32, #tpu.memory_space<hbm>>)
      } else {
      }
      %scan3A_363 = arith.constant 0 : i32
      %scan3A_364 = arith.constant 0 : i32
      %scan3A_365 = arith.constant 224 : i32
      %scan3A_366 = arith.addi %scan3A_364, %scan3A_365 : i32
      %scan3A_367 = arith.constant 1 : i32
      scf.for %scan3A_394 = %scan3A_364 to %scan3A_366 step %scan3A_367  : i32 {
        %get3A = arith.constant 1 : i32
        %get3A_395 = arith.index_cast %get3A : i32 to index
        %get3A_396 = arith.index_cast %scan3A_394 : i32 to index
        %get3A_397 = arith.constant 0 : index
        %get3A_398 = tpu.vector_load %arg7[%get3A_395, %get3A_396, %get3A_397] {strides = array<i32>} : memref<2x224x128xf32, #tpu.memory_space<vmem>>, vector<1x1x16xf32>,
        %get3A_399 = vector.shape_cast %get3A_398 : vector<1x1x16xf32> to vector<16xf32>
        %swap3A = arith.constant 1 : i32
        %swap3A_400 = arith.index_cast %swap3A : i32 to index
        %swap3A_401 = arith.index_cast %scan3A_394 : i32 to index
        %swap3A_402 = arith.constant 0 : index
        %swap3A_403 = tpu.vector_load %arg6[%swap3A_400, %swap3A_401, %swap3A_402] {strides = array<i32>} : memref<2x224x96xf32, #tpu.memory_space<vmem>>, vector<1x1x16xf32>,
        %swap3A_404 = vector.shape_cast %swap3A_403 : vector<1x1x16xf32> to vector<16xf32>
        %swap3A_405 = vector.shape_cast %get3A_399 : vector<16xf32> to vector<1x1x16xf32>
        tpu.vector_store %arg6[%swap3A_400, %swap3A_401, %swap3A_402], %swap3A_405 {strides = array<i32>} : memref<2x224x96xf32, #tpu.memory_space<vmem>>, vector<1x1x16xf32>,
        %get3A_406 = arith.constant 1 : i32
        %get3A_407 = arith.index_cast %get3A_406 : i32 to index
        %get3A_408 = arith.index_cast %scan3A_394 : i32 to index
        %get3A_409 = arith.constant 16 : index
        %get3A_410 = tpu.vector_load %arg7[%get3A_407, %get3A_408, %get3A_409] {strides = array<i32>} : memref<2x224x128xf32, #tpu.memory_space<vmem>>, vector<1x1x16xf32>,
        %get3A_411 = vector.shape_cast %get3A_410 : vector<1x1x16xf32> to vector<16xf32>
        %swap3A_412 = arith.constant 1 : i32
        %swap3A_413 = arith.index_cast %swap3A_412 : i32 to index
        %swap3A_414 = arith.index_cast %scan3A_394 : i32 to index
        %swap3A_415 = arith.constant 16 : index
        %swap3A_416 = tpu.vector_load %arg6[%swap3A_413, %swap3A_414, %swap3A_415] {strides = array<i32>} : memref<2x224x96xf32, #tpu.memory_space<vmem>>, vector<1x1x16xf32>,
        %swap3A_417 = vector.shape_cast %swap3A_416 : vector<1x1x16xf32> to vector<16xf32>
        %swap3A_418 = vector.shape_cast %get3A_411 : vector<16xf32> to vector<1x1x16xf32>
        tpu.vector_store %arg6[%swap3A_413, %swap3A_414, %swap3A_415], %swap3A_418 {strides = array<i32>} : memref<2x224x96xf32, #tpu.memory_space<vmem>>, vector<1x1x16xf32>,
        %get3A_419 = arith.constant 1 : i32
        %get3A_420 = arith.index_cast %get3A_419 : i32 to index
        %get3A_421 = arith.index_cast %scan3A_394 : i32 to index
        %get3A_422 = arith.constant 32 : index
        %get3A_423 = tpu.vector_load %arg7[%get3A_420, %get3A_421, %get3A_422] {strides = array<i32>} : memref<2x224x128xf32, #tpu.memory_space<vmem>>, vector<1x1x16xf32>,
        %get3A_424 = vector.shape_cast %get3A_423 : vector<1x1x16xf32> to vector<16xf32>
        %swap3A_425 = arith.constant 1 : i32
        %swap3A_426 = arith.index_cast %swap3A_425 : i32 to index
        %swap3A_427 = arith.index_cast %scan3A_394 : i32 to index
        %swap3A_428 = arith.constant 32 : index
        %swap3A_429 = tpu.vector_load %arg6[%swap3A_426, %swap3A_427, %swap3A_428] {strides = array<i32>} : memref<2x224x96xf32, #tpu.memory_space<vmem>>, vector<1x1x16xf32>,
        %swap3A_430 = vector.shape_cast %swap3A_429 : vector<1x1x16xf32> to vector<16xf32>
        %swap3A_431 = vector.shape_cast %get3A_424 : vector<16xf32> to vector<1x1x16xf32>
        tpu.vector_store %arg6[%swap3A_426, %swap3A_427, %swap3A_428], %swap3A_431 {strides = array<i32>} : memref<2x224x96xf32, #tpu.memory_space<vmem>>, vector<1x1x16xf32>,
        %get3A_432 = arith.constant 1 : i32
        %get3A_433 = arith.index_cast %get3A_432 : i32 to index
        %get3A_434 = arith.index_cast %scan3A_394 : i32 to index
        %get3A_435 = arith.constant 48 : index
        %get3A_436 = tpu.vector_load %arg7[%get3A_433, %get3A_434, %get3A_435] {strides = array<i32>} : memref<2x224x128xf32, #tpu.memory_space<vmem>>, vector<1x1x16xf32>,
        %get3A_437 = vector.shape_cast %get3A_436 : vector<1x1x16xf32> to vector<16xf32>
        %swap3A_438 = arith.constant 1 : i32
        %swap3A_439 = arith.index_cast %swap3A_438 : i32 to index
        %swap3A_440 = arith.index_cast %scan3A_394 : i32 to index
        %swap3A_441 = arith.constant 48 : index
        %swap3A_442 = tpu.vector_load %arg6[%swap3A_439, %swap3A_440, %swap3A_441] {strides = array<i32>} : memref<2x224x96xf32, #tpu.memory_space<vmem>>, vector<1x1x16xf32>,
        %swap3A_443 = vector.shape_cast %swap3A_442 : vector<1x1x16xf32> to vector<16xf32>
        %swap3A_444 = vector.shape_cast %get3A_437 : vector<16xf32> to vector<1x1x16xf32>
        tpu.vector_store %arg6[%swap3A_439, %swap3A_440, %swap3A_441], %swap3A_444 {strides = array<i32>} : memref<2x224x96xf32, #tpu.memory_space<vmem>>, vector<1x1x16xf32>,
        %get3A_445 = arith.constant 1 : i32
        %get3A_446 = arith.index_cast %get3A_445 : i32 to index
        %get3A_447 = arith.index_cast %scan3A_394 : i32 to index
        %get3A_448 = arith.constant 64 : index
        %get3A_449 = tpu.vector_load %arg7[%get3A_446, %get3A_447, %get3A_448] {strides = array<i32>} : memref<2x224x128xf32, #tpu.memory_space<vmem>>, vector<1x1x16xf32>,
        %get3A_450 = vector.shape_cast %get3A_449 : vector<1x1x16xf32> to vector<16xf32>
        %swap3A_451 = arith.constant 1 : i32
        %swap3A_452 = arith.index_cast %swap3A_451 : i32 to index
        %swap3A_453 = arith.index_cast %scan3A_394 : i32 to index
        %swap3A_454 = arith.constant 64 : index
        %swap3A_455 = tpu.vector_load %arg6[%swap3A_452, %swap3A_453, %swap3A_454] {strides = array<i32>} : memref<2x224x96xf32, #tpu.memory_space<vmem>>, vector<1x1x16xf32>,
        %swap3A_456 = vector.shape_cast %swap3A_455 : vector<1x1x16xf32> to vector<16xf32>
        %swap3A_457 = vector.shape_cast %get3A_450 : vector<16xf32> to vector<1x1x16xf32>
        tpu.vector_store %arg6[%swap3A_452, %swap3A_453, %swap3A_454], %swap3A_457 {strides = array<i32>} : memref<2x224x96xf32, #tpu.memory_space<vmem>>, vector<1x1x16xf32>,
        %get3A_458 = arith.constant 1 : i32
        %get3A_459 = arith.index_cast %get3A_458 : i32 to index
        %get3A_460 = arith.index_cast %scan3A_394 : i32 to index
        %get3A_461 = arith.constant 80 : index
        %get3A_462 = tpu.vector_load %arg7[%get3A_459, %get3A_460, %get3A_461] {strides = array<i32>} : memref<2x224x128xf32, #tpu.memory_space<vmem>>, vector<1x1x16xf32>,
        %get3A_463 = vector.shape_cast %get3A_462 : vector<1x1x16xf32> to vector<16xf32>
        %swap3A_464 = arith.constant 1 : i32
        %swap3A_465 = arith.index_cast %swap3A_464 : i32 to index
        %swap3A_466 = arith.index_cast %scan3A_394 : i32 to index
        %swap3A_467 = arith.constant 80 : index
        %swap3A_468 = tpu.vector_load %arg6[%swap3A_465, %swap3A_466, %swap3A_467] {strides = array<i32>} : memref<2x224x96xf32, #tpu.memory_space<vmem>>, vector<1x1x16xf32>,
        %swap3A_469 = vector.shape_cast %swap3A_468 : vector<1x1x16xf32> to vector<16xf32>
        %swap3A_470 = vector.shape_cast %get3A_463 : vector<16xf32> to vector<1x1x16xf32>
        tpu.vector_store %arg6[%swap3A_465, %swap3A_466, %swap3A_467], %swap3A_470 {strides = array<i32>} : memref<2x224x96xf32, #tpu.memory_space<vmem>>, vector<1x1x16xf32>,
      }
      %scan3A_368 = arith.constant 224 : i32
      %add3A_369 = arith.addi %mul3A_32, %add3A_320 : i32
      %dma_start3A_370 = arith.constant 1 : i32
      %dma_start3A_371 = arith.constant 0 : i32
      %dma_start3A_372 = arith.constant 0 : i32
      %dma_start3A_373 = tpu.memref_slice %arg6[%dma_start3A_370, %dma_start3A_371, %dma_start3A_372] : memref<2x224x96xf32, #tpu.memory_space<vmem>> -> memref<1x224x96xf32, #tpu.memory_space<vmem>>
      %dma_start3A_374 = tpu.memref_squeeze %dma_start3A_373 : memref<1x224x96xf32, #tpu.memory_space<vmem>> -> memref<224x96xf32, #tpu.memory_space<vmem>>
      %dma_start3A_375 = arith.constant 0 : i32
      %dma_start3A_376 = arith.constant 0 : i32
      %dma_start3A_377 = tpu.memref_slice %arg4[%add3A, %add3A_369, %dma_start3A_375, %dma_start3A_376] : memref<8x224x224x96xf32, #tpu.memory_space<hbm>> -> memref<1x1x224x96xf32, #tpu.memory_space<hbm>>
      %dma_start3A_378 = tpu.memref_squeeze %dma_start3A_377 : memref<1x1x224x96xf32, #tpu.memory_space<hbm>> -> memref<224x96xf32, #tpu.memory_space<hbm>>
      %dma_start3A_379 = arith.constant 0 : i32
      %dma_start3A_380 = arith.constant 0 : i32
      %dma_start3A_381 = tpu.memref_slice %arg4[%add3A, %add3A_369, %dma_start3A_379, %dma_start3A_380] : memref<8x224x224x96xf32, #tpu.memory_space<hbm>> -> memref<1x1x224x96xf32, #tpu.memory_space<hbm>>
      %dma_start3A_382 = tpu.memref_squeeze %dma_start3A_381 : memref<1x1x224x96xf32, #tpu.memory_space<hbm>> -> memref<224x96xf32, #tpu.memory_space<hbm>>
      %dma_start3A_383 = arith.constant 0 : i32
      %dma_start3A_384 = arith.constant 0 : i32
      %dma_start3A_385 = tpu.memref_slice %arg6[%dma_start3A_370, %dma_start3A_383, %dma_start3A_384] : memref<2x224x96xf32, #tpu.memory_space<vmem>> -> memref<1x224x96xf32, #tpu.memory_space<vmem>>
      %dma_start3A_386 = tpu.memref_squeeze %dma_start3A_385 : memref<1x224x96xf32, #tpu.memory_space<vmem>> -> memref<224x96xf32, #tpu.memory_space<vmem>>
      tpu.enqueue_dma source(%dma_start3A_386 : memref<224x96xf32, #tpu.memory_space<vmem>>) target(%dma_start3A_382 : memref<224x96xf32, #tpu.memory_space<hbm>>) target_semaphore(%arg12 : memref<!tpu.dma_semaphore, #tpu.memory_space<semaphore_mem>>)
      %add3A_387 = arith.constant 2 : i32
      %add3A_388 = arith.addi %add3A_320, %add3A_387 : i32
      %lt3A_389 = arith.constant 56 : i32
      %lt3A_390 = arith.cmpi slt, %add3A_388, %lt3A_389 : i32
      %convert_element_type3A_391 = arith.extui %lt3A_390 : i1 to i32
      %cond3A_392 = arith.constant 0 : i32
      %cond3A_393 = arith.cmpi ne, %convert_element_type3A_391, %cond3A_392 : i32
      scf.if %cond3A_393 {
        %add3A_394 = arith.constant 2 : i32
        %add3A_395 = arith.addi %add3A_320, %add3A_394 : i32
        %dma_start3A_396 = arith.constant 2 : i32
        %dma_start3A_397 = arith.constant 0 : i32
        %dma_start3A_398 = tpu.memref_slice %arg8[%dma_start3A_396, %dma_start3A_397] : memref<4x112xi32, #tpu.memory_space<vmem>> -> memref<2x112xi32, #tpu.memory_space<vmem>>
        %dma_start3A_399 = arith.constant 0 : i32
        %dma_start3A_400 = arith.constant 0 : i32
        %dma_start3A_401 = tpu.memref_slice %arg3[%add3A_51, %add3A_395, %dma_start3A_399, %dma_start3A_400] : memref<32x56x2x112xi32, #tpu.memory_space<hbm>> -> memref<1x1x2x112xi32, #tpu.memory_space<hbm>>
        %dma_start3A_402 = tpu.memref_squeeze %dma_start3A_401 : memref<1x1x2x112xi32, #tpu.memory_space<hbm>> -> memref<2x112xi32, #tpu.memory_space<hbm>>
        %dma_start3A_403 = arith.constant 2 : i32
        %dma_start3A_404 = arith.constant 0 : i32
        %dma_start3A_405 = tpu.memref_slice %arg8[%dma_start3A_403, %dma_start3A_404] : memref<4x112xi32, #tpu.memory_space<vmem>> -> memref<2x112xi32, #tpu.memory_space<vmem>>
        %dma_start3A_406 = arith.constant 0 : i32
        %dma_start3A_407 = arith.constant 0 : i32
        %dma_start3A_408 = tpu.memref_slice %arg3[%add3A_51, %add3A_395, %dma_start3A_406, %dma_start3A_407] : memref<32x56x2x112xi32, #tpu.memory_space<hbm>> -> memref<1x1x2x112xi32, #tpu.memory_space<hbm>>
        %dma_start3A_409 = tpu.memref_squeeze %dma_start3A_408 : memref<1x1x2x112xi32, #tpu.memory_space<hbm>> -> memref<2x112xi32, #tpu.memory_space<hbm>>
        tpu.enqueue_dma source(%dma_start3A_409 : memref<2x112xi32, #tpu.memory_space<hbm>>) target(%dma_start3A_405 : memref<2x112xi32, #tpu.memory_space<vmem>>) target_semaphore(%arg16 : memref<!tpu.dma_semaphore, #tpu.memory_space<semaphore_mem>>)
      } else {
      }
    }
    %scan3A_207 = arith.constant 28 : i32
    %dma_wait3A_208 = arith.constant 0 : i32
    %dma_wait3A_209 = arith.constant 0 : i32
    %dma_wait3A_210 = arith.constant 0 : i32
    %dma_wait3A_211 = tpu.memref_slice %arg6[%dma_wait3A_208, %dma_wait3A_209, %dma_wait3A_210] : memref<2x224x96xf32, #tpu.memory_space<vmem>> -> memref<1x224x96xf32, #tpu.memory_space<vmem>>
    %dma_wait3A_212 = tpu.memref_squeeze %dma_wait3A_211 : memref<1x224x96xf32, #tpu.memory_space<vmem>> -> memref<224x96xf32, #tpu.memory_space<vmem>>
    %dma_wait3A_213 = arith.constant 0 : i32
    %dma_wait3A_214 = arith.constant 0 : i32
    %dma_wait3A_215 = tpu.memref_slice %arg4[%add3A, %mul3A_32, %dma_wait3A_213, %dma_wait3A_214] : memref<8x224x224x96xf32, #tpu.memory_space<hbm>> -> memref<1x1x224x96xf32, #tpu.memory_space<hbm>>
    %dma_wait3A_216 = tpu.memref_squeeze %dma_wait3A_215 : memref<1x1x224x96xf32, #tpu.memory_space<hbm>> -> memref<224x96xf32, #tpu.memory_space<hbm>>
    %dma_wait3A_217 = arith.constant 0 : i32
    %dma_wait3A_218 = arith.constant 0 : i32
    %dma_wait3A_219 = tpu.memref_slice %arg4[%add3A, %mul3A_32, %dma_wait3A_217, %dma_wait3A_218] : memref<8x224x224x96xf32, #tpu.memory_space<hbm>> -> memref<1x1x224x96xf32, #tpu.memory_space<hbm>>
    %dma_wait3A_220 = tpu.memref_squeeze %dma_wait3A_219 : memref<1x1x224x96xf32, #tpu.memory_space<hbm>> -> memref<224x96xf32, #tpu.memory_space<hbm>>
    %dma_wait3A_221 = arith.constant 0 : i32
    %dma_wait3A_222 = arith.constant 0 : i32
    %dma_wait3A_223 = tpu.memref_slice %arg6[%dma_wait3A_208, %dma_wait3A_221, %dma_wait3A_222] : memref<2x224x96xf32, #tpu.memory_space<vmem>> -> memref<1x224x96xf32, #tpu.memory_space<vmem>>
    %dma_wait3A_224 = tpu.memref_squeeze %dma_wait3A_223 : memref<1x224x96xf32, #tpu.memory_space<vmem>> -> memref<224x96xf32, #tpu.memory_space<vmem>>
    tpu.wait_dma2 semaphore(%arg11 : memref<!tpu.dma_semaphore, #tpu.memory_space<semaphore_mem>>) src(%dma_wait3A_224 : memref<224x96xf32, #tpu.memory_space<vmem>>) dst(%dma_wait3A_220 : memref<224x96xf32, #tpu.memory_space<hbm>>)
    %dma_wait3A_225 = arith.constant 1 : i32
    %dma_wait3A_226 = arith.constant 0 : i32
    %dma_wait3A_227 = arith.constant 0 : i32
    %dma_wait3A_228 = tpu.memref_slice %arg6[%dma_wait3A_225, %dma_wait3A_226, %dma_wait3A_227] : memref<2x224x96xf32, #tpu.memory_space<vmem>> -> memref<1x224x96xf32, #tpu.memory_space<vmem>>
    %dma_wait3A_229 = tpu.memref_squeeze %dma_wait3A_228 : memref<1x224x96xf32, #tpu.memory_space<vmem>> -> memref<224x96xf32, #tpu.memory_space<vmem>>
    %dma_wait3A_230 = arith.constant 0 : i32
    %dma_wait3A_231 = arith.constant 0 : i32
    %dma_wait3A_232 = tpu.memref_slice %arg4[%add3A, %mul3A_32, %dma_wait3A_230, %dma_wait3A_231] : memref<8x224x224x96xf32, #tpu.memory_space<hbm>> -> memref<1x1x224x96xf32, #tpu.memory_space<hbm>>
    %dma_wait3A_233 = tpu.memref_squeeze %dma_wait3A_232 : memref<1x1x224x96xf32, #tpu.memory_space<hbm>> -> memref<224x96xf32, #tpu.memory_space<hbm>>
    %dma_wait3A_234 = arith.constant 0 : i32
    %dma_wait3A_235 = arith.constant 0 : i32
    %dma_wait3A_236 = tpu.memref_slice %arg4[%add3A, %mul3A_32, %dma_wait3A_234, %dma_wait3A_235] : memref<8x224x224x96xf32, #tpu.memory_space<hbm>> -> memref<1x1x224x96xf32, #tpu.memory_space<hbm>>
    %dma_wait3A_237 = tpu.memref_squeeze %dma_wait3A_236 : memref<1x1x224x96xf32, #tpu.memory_space<hbm>> -> memref<224x96xf32, #tpu.memory_space<hbm>>
    %dma_wait3A_238 = arith.constant 0 : i32
    %dma_wait3A_239 = arith.constant 0 : i32
    %dma_wait3A_240 = tpu.memref_slice %arg6[%dma_wait3A_225, %dma_wait3A_238, %dma_wait3A_239] : memref<2x224x96xf32, #tpu.memory_space<vmem>> -> memref<1x224x96xf32, #tpu.memory_space<vmem>>
    %dma_wait3A_241 = tpu.memref_squeeze %dma_wait3A_240 : memref<1x224x96xf32, #tpu.memory_space<vmem>> -> memref<224x96xf32, #tpu.memory_space<vmem>>
    tpu.wait_dma2 semaphore(%arg12 : memref<!tpu.dma_semaphore, #tpu.memory_space<semaphore_mem>>) src(%dma_wait3A_241 : memref<224x96xf32, #tpu.memory_space<vmem>>) dst(%dma_wait3A_237 : memref<224x96xf32, #tpu.memory_space<hbm>>)
    return
  }
}

</mosaic_0001>

<sc_bundles>
// kernel: kernel.3.cloned.1.call-start
scs
__scs_entry_jumppad:
0x0: {  	(pc) =	sbr.rel $0x88, $3  }
0x1: {  	(tag) =	ssettag $0x0;
	lr =	simm.s32 $0x1  }
0x2: {  	[smem:$0x3FA0] =	sst lr;
	_ =	strace $0xD0000000  }
0x3: {  	_ = 	snop  }
0x4: {  	_ = 	snop  }
0x5: {  	_ = 	snop  }
0x6: {  	_ = 	snop  }
0x7: {  	_ = 	snop  }
__scs_overlays_trampoline_lowered:
0x8: {  	[smem:$0x3FAF] =	sst s0  }
0x9: {  	[smem:$0x3FB0] =	sst s1  }
0xa: {  	[smem:$0x3FB1] =	sst s2  }
0xb: {  	[smem:$0x3FB2] =	sst s3  }
0xc: {  	[smem:$0x3FB3] =	sst s4  }
0xd: {  	[smem:$0x3FB4] =	sst s5  }
0xe: {  	[smem:$0x3FB5] =	sst s6  }
0xf: {  	[smem:$0x3FB6] =	sst s7  }
0x10: {  	[smem:$0x3FB7] =	sst s8  }
0x11: {  	[smem:$0x3FB8] =	sst s9;
	s0 =	simm.s32 @!p0 $0x0  }
0x12: {  	s1 =	sld [smem:$0x3F9E];
	s0 =	simm.s32 @p0 $0x1  }
0x13: {  	[smem:$0x3FB9] =	sst s0;
	s0 =	simm.s32 @!p1 $0x0  }
0x14: {  	s2 =	sld [smem:$0x3F9D];
	s0 =	simm.s32 @p1 $0x1  }
0x15: {  	[smem:$0x3FBA] =	sst s0;
	s0 =	simm.s32 @!p2 $0x0  }
0x16: {  	s3 =	sld [smem:$0x3FDB];
	s0 =	simm.s32 @p2 $0x1  }
0x17: {  	s4 =	simm.s32 $0x1BF5;
	[smem:$0x3FBC] =	sst s0  }
0x18: {  	s0 =	sld [smem:$0x3F9F];
	_ =	swait.ge [sflag:s4], $0x0  }
0x19: {  	s7 =	sld [smem:$0x3FA0]  }
0x1a: {  	s8 =	sadd.s32 $0xFFFFE003, lr  }
0x1b: {  	s9 =	sadd.s32 $0xFFFFFEF7, lr;
	s5 =	simm.s32 $0xFFFFFFFF;
	p2 =	slt.u32 s8, $0xFFFFF086  }
0x1c: {  	p1 =	slt.u32 s9, $0xF7A;
	s5 =	simm.s32 @!p2 $0x0  }
0x1d: {  	s5 =	simm.s32 @p1 $0x1;
	p0 =	seq.s32 s7, s2  }
0x1e: {  	s7 =	smul.u32 @!p0 $0xF7A, s2;
	p2 =	seq.s32 @!p0 s5, $0x0  }
0x1f: {  	s9 =	smul.u32 $0xF7A, s1;
	s8 =	simm.s32 @!p0 $0x1BF5;
	p2 =	por !p2, p0  }
0x20: {  	[sflag:s8] =	ssyncset.s32 @!p0 $0xFFFFF086;
	s6 =	sadd.s32 @!p0 s3, s7;
	s7 =	simm.s32 @!p0 $0x108  }
0x21: {  	s3 =	sadd.s32 s3, s9;
	s6 =	sadd.s32 @!p0 $0x88, s6;
	s7 =	simm.s32 @p2 $0x1082  }
0x22: {  	[simem:s7], [sflag:s8] =	dma.local @!p0 [hbm:s6], $0xF7A  }
0x23: {  	s9 =	sor.u32 $0xD0000000, s2;
	s6 =	simm.s32 $0x108;
	_ =	swait.ge @!p0 [sflag:s8], $0x0  }
0x24: {  	s3 =	sadd.s32 $0x88, s3;
	s6 =	simm.s32 @!p1 $0x1082;
	[sflag:s4] =	ssyncset.s32 $0xFFFFF086  }
0x25: {  	[simem:s6], [sflag:s4] =	dma.local [hbm:s3], $0xF7A  }
0x26: {  	[smem:$0x3FA0] =	sst s1;
	(tag) =	ssettag s2;
	_ =	strace s9  }
0x27: {  	s1 =	sld [smem:$0x3FB0]  }
0x28: {  	s2 =	sld [smem:$0x3FB1]  }
0x29: {  	s4 =	sld [smem:$0x3FB3]  }
0x2a: {  	p0 =	seq.s32 s5, $0x0;
	s5 =	sld [smem:$0x3FB4]  }
0x2b: {  	s6 =	sld [smem:$0x3FB5]  }
0x2c: {  	s7 =	sld [smem:$0x3FB6]  }
0x2d: {  	s3 =	simm.s32 $0x108;
	s8 =	sld [smem:$0x3FB7]  }
0x2e: {  	s3 =	simm.s32 @!p0 $0x1082;
	s9 =	sld [smem:$0x3FB8]  }
0x2f: {  	lr =	sadd.s32 s0, s3;
	s0 =	sld [smem:$0x3FAF]  }
0x30: {  	s3 =	sld [smem:$0x3FB2]  }
0x31: {  	[smem:$0x3FBB] =	sst s10  }
0x32: {  	s10 =	sld [smem:$0x3FB9];
	_ =	sdelay $0x3  }
0x33: {  	p0 =	seq.s32 s10, $0x1;
	s10 =	sld [smem:$0x3FBB];
	_ =	sdelay $0x3  }
0x34: {  	[smem:$0x3FBB] =	sst s10  }
0x35: {  	s10 =	sld [smem:$0x3FBA];
	_ =	sdelay $0x3  }
0x36: {  	p1 =	seq.s32 s10, $0x1;
	s10 =	sld [smem:$0x3FBB];
	_ =	sdelay $0x3  }
0x37: {  	[smem:$0x3FBB] =	sst s10  }
0x38: {  	s10 =	sld [smem:$0x3FBC]  }
0x39: {  	_ = 	snop;
	(pc) =	sbr.ind lr, $3  }
0x3a: {  	_ = 	snop  }
0x3b: {  	_ = 	snop  }
0x3c: {  	p2 =	seq.s32 s10, $0x1;
	s10 =	sld [smem:$0x3FBB]  }
0x3d: {  	_ =	shalt  }
0x3e: {  	_ =	shalt  }
0x3f: {  	_ =	shalt  }
0x40: {  	_ =	shalt  }
0x41: {  	_ =	shalt  }
0x42: {  	_ =	shalt  }
0x43: {  	_ =	shalt  }
0x44: {  	_ =	shalt  }
0x45: {  	_ =	shalt  }
0x46: {  	_ =	shalt  }
0x47: {  	_ =	shalt  }
0x48: {  	_ =	shalt  }
0x49: {  	_ =	shalt  }
0x4a: {  	_ =	shalt  }
0x4b: {  	_ =	shalt  }
0x4c: {  	_ =	shalt  }
0x4d: {  	_ =	shalt  }
0x4e: {  	_ =	shalt  }
0x4f: {  	_ =	shalt  }
0x50: {  	_ =	shalt  }
0x51: {  	_ =	shalt  }
0x52: {  	_ =	shalt  }
0x53: {  	_ =	shalt  }
0x54: {  	_ =	shalt  }
0x55: {  	_ =	shalt  }
0x56: {  	_ =	shalt  }
0x57: {  	_ =	shalt  }
0x58: {  	_ =	shalt  }
0x59: {  	_ =	shalt  }
0x5a: {  	_ =	shalt  }
0x5b: {  	_ =	shalt  }
0x5c: {  	_ =	shalt  }
0x5d: {  	_ =	shalt  }
0x5e: {  	_ =	shalt  }
0x5f: {  	_ =	shalt  }
0x60: {  	_ =	shalt  }
0x61: {  	_ =	shalt  }
0x62: {  	_ =	shalt  }
0x63: {  	_ =	shalt  }
0x64: {  	_ =	shalt  }
0x65: {  	_ =	shalt  }
0x66: {  	_ =	shalt  }
0x67: {  	_ =	shalt  }
0x68: {  	_ =	shalt  }
0x69: {  	_ =	shalt  }
0x6a: {  	_ =	shalt  }
0x6b: {  	_ =	shalt  }
0x6c: {  	_ =	shalt  }
0x6d: {  	_ =	shalt  }
0x6e: {  	_ =	shalt  }
0x6f: {  	_ =	shalt  }
0x70: {  	_ =	shalt  }
0x71: {  	_ =	shalt  }
0x72: {  	_ =	shalt  }
0x73: {  	_ =	shalt  }
0x74: {  	_ =	shalt  }
0x75: {  	_ =	shalt  }
0x76: {  	_ =	shalt  }
0x77: {  	_ =	shalt  }
0x78: {  	_ =	shalt  }
0x79: {  	_ =	shalt  }
0x7a: {  	_ =	shalt  }
0x7b: {  	_ =	shalt  }
0x7c: {  	_ =	shalt  }
0x7d: {  	_ =	shalt  }
0x7e: {  	_ =	shalt  }
0x7f: {  	_ =	shalt  }
0x80: {  	_ =	shalt  }
0x81: {  	_ =	shalt  }
0x82: {  	_ =	shalt  }
0x83: {  	_ =	shalt  }
0x84: {  	_ =	shalt  }
0x85: {  	_ =	shalt  }
0x86: {  	_ =	shalt  }
0x87: {  	_ =	shalt  }
.Lfunc_end0:
.L_simem_size_0:
called_computation_lowered:
.L_overlay_start_0:
0x88: {  	s2 =	sld [smem:$0x3FD9]  }
0x89: {  	s3 =	sld [smem:$0x3FFE];
	_ =	sdelay $0x1  }
0x8a: {  	s1 =	srdreg.scid  }
0x8b: {  	s0 =	sand.u32 $0x1, s1  }
0x8c: {  	s17 =	sshll.u32 s0, $0xA;
	s2 =	sadd.s32 s3, s2  }
0x8d: {  	s2 =	sadd.s32 s2, s17  }
0x8e: {  	[smem:$0x3FC7] =	sst s2  }
0x8f: {  	_ = 	snop  }
0x90: {  	s2 =	sld [smem:$0x3FD0];
	(tm) =	ssettm $0x1  }
0x91: {  	s18 =	sld [smem:$0x3FFB];
	_ =	sdelay $0x3  }
0x92: {  	_ =	strace s18  }
0x93: {  	s3 =	sld [smem:$0x3FFC];
	_ =	sdelay $0x3  }
0x94: {  	_ =	strace s3  }
0x95: {  	s3 =	sld [smem:$0x3FFD];
	_ =	sdelay $0x3  }
0x96: {  	_ =	strace s3  }
0x97: {  	_ =	strace $0x8FFFFFFF  }
0x98: {  	s19 =	sld [smem:$0x3FDB];
	_ =	sdelay $0x1  }
0x99: {  	s4 =	simm.s32 $_scs_section_size  }
0x9a: {  	s5 =	simm.s32 $_size__tile_overlayer_lowered;
	s6 =	simm.s32 $_tile_overlayer_lowered  }
0x9b: {  	s22 =	simm.s32 $0x1BFF;
	s21 =	sshll.u32 s6, $0x1;
	s3 =	sadd.s32 s4, s19  }
0x9c: {  	s7 =	simm.s32 $0x0;
	s20 =	sshll.u32 s5, $0x1;
	s5 =	sadd.s32 s21, s3  }
0x9d: {  	[timem:s7], [sflag:s22] =	dma.local [hbm:s5], s20  }
0x9e: {  	_ =	swait.ge [sflag:s22], s20  }
0x9f: {  	s4 =	ssub.s32 $0x0, s20;
	[sflag:s22] =	ssyncset.done $0x0  }
0xa0: {  	[sflag:s22] =	ssyncadd.s32 s4;
	_ =	sdelay $0x1  }
0xa1: {  	s23 =	simm.s32 $0x1B8B  }
0xa2: {  	_ =	swait.ge [sflag:s23], $0x1  }
0xa3: {  	[sflag:s23] =	ssyncset.done $0x0  }
0xa4: {  	s25 =	simm.s32 $0x1B8E;
	s24 =	sld [smem:$0x3FFE];
	[sflag:s23] =	ssyncadd.s32 $0xFFFFFFFF  }
0xa5: {  	s26 =	simm.s32 $execute0_lowered;
	[smem:$0x3FD2] =	sst s25  }
0xa6: {  	s5 =	sshll.u32 s26, $0x1;
	_ =	strace $0x80000046;
	[dreg:$0x1] =	wrdreg $0xFFFFFFFF  }
0xa7: {  	s28 =	simm.s32 $_size_execute0_lowered;
	s3 =	sadd.s32 s3, s5;
	[dreg:$0x0] =	wrdreg $0x0  }
0xa8: {  	s5 =	sshll.u32 s28, $0x1;
	[dreg:$0x2] =	wrdreg s3  }
0xa9: {  	[dreg:$0x3] =	wrdreg s5  }
0xaa: {  	[dreg:$0x4] =	wrdreg $0xC0  }
0xab: {  	_ =	task [dreg:s7], $0x5FFFF  }
0xac: {  	[dreg:$0x1] =	wrdreg $0xFFFFFFFF  }
0xad: {  	[dreg:$0x0] =	wrdreg $0x60  }
0xae: {  	[dreg:$0x2] =	wrdreg s24  }
0xaf: {  	[dreg:$0x3] =	wrdreg s2  }
0xb0: {  	[dreg:$0x4] =	wrdreg $0x9  }
0xb1: {  	_ =	task.clear_ibuf [dreg:s7], $0x5FFFF;
	_ =	strace $0x90000046  }
0xb2: {  	s29 =	simm.s32 $0x9;
	_ =	strace $0x80000048  }
0xb3: {  	_ =	swait.ge [sflag:s29], $0x1  }
0xb4: {  	[sflag:s29] =	ssyncadd.s32 $0xFFFFFFFF  }
0xb5: {  	_ =	strace $0x90000048  }
0xb6: {  	_ =	sfence  }
0xb7: {  	s30 =	sld [smem:$0x0];
	_ =	sdelay $0x2  }
0xb8: {  	s31 =	sshll.u32 s1, $0xD;
	s1 =	sshrl.u32 s1, $0x2  }
0xb9: {  	s3 =	sand.u32 $0x4000, s31;
	s1 =	sadd.s32 s1, s30  }
0xba: {  	s0 =	sor.u32 s3, s0;
	s1 =	sshll.u32 s1, $0x11  }
0xbb: {  	s0 =	sor.u32 s1, s0  }
0xbc: {  	s0 =	sadd.s32 $0x8F2B, s0  }
0xbd: {  	[sflag:s0] =	ssyncadd.remote.s32 $0x1  }
0xbe: {  	_ =	sfence.sel $0xFFFF  }
0xbf: {  	[dreg:$0x0] =	wrdreg $0xFFFFFFFF;
	(pc) =	sbr.abs _section_cstart, $3  }
0xc0: {  	[dreg:$0x1] =	wrdreg $0xFFFFFFFF  }
0xc1: {  	_ =	task.clear_ibuf [dreg:s7], $0x2FFFF;
	_ =	strace $0x9FFFFFFF  }
0xc2: {  	(tm) =	ssettm $0x7FFFFFFF  }
0xc3: {  	_ =	shalt  }
tec
execute0_lowered:
.L_overlay_start_1:
0x0: {  	(tag) =	ssettag $0x1  }
0x1: {  	s0 =	rddreg [dreg:$0x0]  }
0x2: {  	s2 =	rddreg [dreg:$0x1];
	s1 =	srdreg.scid  }
0x3: {  	s6 =	stileid.u32;
	s3 =	simm.s32 $0x0;
	s21 =	simm.s32 $0x7000  }
0x4: {  	s22 =	simm.s32 $0x1;
	s23 =	simm.s32 $0xE000;
	s30 =	simm.s32 $0x1C100  }
0x5: {  	s16 =	simm.s32 $0x5;
	s20 =	simm.s32 $0x6;
	s15 =	simm.s32 $0x0  }
0x6: {  	s1 =	sand.u32 $0x1, s1;
	s5 =	sshrl.u32 s6, $0x2;
	[smem:$0x7FF] =	sst s3  }
0x7: {  	s10 =	sand.u32 $0x3, s6;
	s6 =	sadd.s32 $0xC40A00, s0;
	s7 =	sadd.s32 $0x620A00, s0  }
0x8: {  	s4 =	sshll.u32 s1, $0x2;
	_ =	strace $0x80000047;
	s11 =	smul.u32 $0x188000, s10  }
0x9: {  	s1 =	ssub.s32 $0x2, s1;
	s8 =	smul.u32 $0x38, s10;
	s9 =	sor.u32 s5, s4  }
0xa: {  	s5 =	sadd.s32 $0xA00, s0;
	s24 =	sshrl.u32 s1, $0x1;
	s4 =	smul.u32 $0x620000, s9  }
0xb: {  	s12 =	sshll.u32 s9, $0x2;
	s9 =	smul.u32 $0xE0, s9;
	s0 =	ssub.s32 s1, s24  }
0xc: {  	s29 =	sor.u32 $0x2, s8;
	s14 =	sor.u32 $0x3, s8;
	s18 =	sor.u32 $0x1, s8  }
0xd: {  	s24 =	simm.s32 $0x2;
	s10 =	sor.u32 s10, s12;
	[dreg:$0x5] =	wrdreg s29  }
0xe: {  	s0 =	smax.u32 s0, $0x1;
	s11 =	sadd.s32 s11, s4;
	s10 =	smul.u32 $0x3800, s10  }
0xf: {  	[dreg:$0x8] =	wrdreg s0;
	s25 =	sor.u32 $0x7000, s11;
	s11 =	sshrl.u32 s11, $0x3  }
0x10: {  	s0 =	simm.s32 $0x70;
	s12 =	sshrl.u32 s25, $0x3;
	s26 =	sadd.s32 s5, s11  }
0x11: {  	s11 =	sadd.s32 s8, s9;
	s31 =	sshrl.u32 s10, $0x3;
	s17 =	sor.u32 $0x200, s10  }
.Ltmp0:
0x12: {  	s19 =	sor.u32 $0x300, s10;
	s25 =	simm.s32 $0x4;
	(pc) =	sbr.rel .LBB2_1-.Ltmp0, $4  }
0x13: {  	s9 =	simm.s32 $0x1C180;
	[dreg:$0x3] =	wrdreg s26;
	s28 =	sadd.s32 s5, s12  }
0x14: {  	s10 =	simm.s32 $0x18800;
	s1 =	sadd.s32 s2, s31;
	[dreg:$0x4] =	wrdreg s28  }
0x15: {  	s13 =	sor.u32 $0x1, s11;
	[dreg:$0x6] =	wrdreg s1;
	s1 =	sadd.s32 $0x20, s1  }
0x16: {  	s26 =	simm.s32 $0x15000;
	[dreg:$0x7] =	wrdreg s1;
	s1 =	simm.s32 $0x8  }
.LBB2_19:
0x17: {  	s12 =	simm.s32 $0x3  }
0x18: {  	_ =	swait.ge [sflag:s12], $0x7000  }
0x19: {  	[sflag:s12] =	ssyncset.done $0x0  }
0x1a: {  	[sflag:s12] =	ssyncadd.s32 $0xFFFF9000  }
0x1b: {  	_ =	swait.ge [sflag:s25], $0x7000  }
0x1c: {  	s15 =	rddreg [dreg:$0x9]  }
0x1d: {  	s31 =	rddreg [dreg:$0x8];
	s15 =	sadd.s32 $0x1, s15  }
0x1e: {  	p0 =	sne.s32 s15, s31  }
.Ltmp1:
0x1f: {  	_ = 	snop;
	(pc) =	sbr.rel @!p0 .LBB2_20-.Ltmp1, $3  }
0x20: {  	_ =	sdelay $0x1  }
0x21: {  	[sflag:s25] =	ssyncset.done $0x0  }
0x22: {  	[sflag:s25] =	ssyncadd.s32 $0xFFFF9000  }
.LBB2_1:
0x23: {  	[dreg:$0x9] =	wrdreg s15  }
0x24: {  	s12 =	rddreg [dreg:$0x3]  }
0x25: {  	[tilespmem:s3], [sflag:$0x1] =	stream.linear.gather [hbm4b:s12+s3], $0x7000, $0x38;
	[tilespmem:$0x1C200] =	vst v63  }
0x26: {  	s31 =	rddreg [dreg:$0x4];
	s15 =	simm.s32 $0x0  }
0x27: {  	[tilespmem:s21], [sflag:$0x2] =	stream.linear.gather [hbm4b:s31+s3], $0x7000, $0x38;
	[tilespmem:$0x1C200] =	vst v63  }
.LBB2_2:
0x28: {  	_ =	swait.ge [sflag:s22], $0x7000  }
0x29: {  	p0 =	seq.s32 s15, $0x0;
	[sflag:s22] =	ssyncset.done $0x0  }
0x2a: {  	s28 =	simm.s32 @!p0 $0x3;
	[sflag:s22] =	ssyncadd.s32 $0xFFFF9000  }
0x2b: {  	_ =	swait.ge @!p0 [sflag:s28], $0x7000  }
0x2c: {  	[sflag:s28] =	ssyncset.done @!p0 $0x0  }
0x2d: {  	[sflag:s28] =	ssyncadd.s32 @!p0 $0xFFFF9000;
	s28 =	simm.s32 $0x0  }
0x2e: {  	v1 =	vld [tilespmem:s28+$0x50]  }
0x2f: {  	v2 =	vld [tilespmem:s28+$0x0]  }
0x30: {  	v3 =	vld [tilespmem:s28+$0x10]  }
0x31: {  	v0 =	vld [tilespmem:s28+$0x20]  }
0x32: {  	s31 =	sshll.u32 s15, $0x1;
	s29 =	simm.s32 $0x200;
	v4 =	vld [tilespmem:s28+$0x30]  }
.LBB2_3:
0x33: {  	s12 =	sshra.s32 s29, $0x2;
	p1 =	sne.s32 s29, $0x1BE00;
	s29 =	sadd.s32 $0x200, s29;
	v5 =	vld [tilespmem:s28+$0x40];
	[tilespmem:s28+$0xE050] =	vst v1  }
.Ltmp2:
0x34: {  	v1 =	vld [tilespmem:s12+$0x50];
	[tilespmem:s28+$0xE000] =	vst v2;
	(pc) =	sbr.rel @p1 .LBB2_3-.Ltmp2, $4  }
0x35: {  	v2 =	vld [tilespmem:s12+$0x0];
	[tilespmem:s28+$0xE010] =	vst v3  }
0x36: {  	v3 =	vld [tilespmem:s12+$0x10];
	[tilespmem:s28+$0xE020] =	vst v0  }
0x37: {  	v0 =	vld [tilespmem:s12+$0x20];
	[tilespmem:s28+$0xE030] =	vst v4  }
0x38: {  	v4 =	vld [tilespmem:s12+$0x30];
	[tilespmem:s28+$0xE040] =	vst v5;
	s28 =	smov.u32 s12  }
0x39: {  	v5 =	vld [tilespmem:s28+$0x40];
	[tilespmem:s28+$0xE050] =	vst v1  }
0x3a: {  	p1 =	sne.s32 s15, $0x1B;
	[tilespmem:s28+$0xE000] =	vst v2  }
.Ltmp3:
0x3b: {  	s12 =	sadd.s32 s11, s31;
	[tilespmem:s28+$0xE010] =	vst v3;
	(pc) =	sbr.rel @p1 .LBB2_6-.Ltmp3, $4  }
0x3c: {  	s12 =	smul.u32 $0xE00, s12;
	[tilespmem:s28+$0xE020] =	vst v0  }
0x3d: {  	[tilespmem:s28+$0xE030] =	vst v4  }
0x3e: {  	s12 =	sadd.s32 s7, s12;
	[tilespmem:s28+$0xE040] =	vst v5  }
0x3f: {  	[hbm4b:s12+s3] =	stream.linear.scatter [tilespmem:s23], [sflag:$0x3], $0x7000, $0x38;
	[tilespmem:$0x1C200] =	vst v63  }
.Ltmp4:
0x40: {  	(pc) =	sbr.rel .LBB2_7-.Ltmp4, $4  }
0x41: {  	_ = 	snop  }
0x42: {  	_ =	swait.ge [sflag:s24], $0x7000  }
0x43: {  	[sflag:s24] =	ssyncset.done $0x0  }
0x44: {  	[sflag:s24] =	ssyncadd.s32 $0xFFFF9000  }
.LBB2_6:
0x45: {  	s12 =	rddreg [dreg:$0x5]  }
0x46: {  	s12 =	sadd.s32 s31, s12  }
0x47: {  	s12 =	smul.u32 $0x7000, s12;
	_ =	sdelay $0x1  }
0x48: {  	s12 =	sadd.s32 s4, s12  }
0x49: {  	s12 =	sshrl.u32 s12, $0x3  }
.Ltmp5:
0x4a: {  	s12 =	sadd.s32 s5, s12;
	(pc) =	sbr.rel @p0 .LBB2_8-.Ltmp5, $4  }
0x4b: {  	[tilespmem:s3], [sflag:$0x1] =	stream.linear.gather [hbm4b:s12+s3], $0x7000, $0x38;
	[tilespmem:$0x1C200] =	vst v63  }
0x4c: {  	_ =	swait.ge [sflag:s24], $0x7000  }
0x4d: {  	[sflag:s24] =	ssyncset.done $0x0  }
0x4e: {  	[sflag:s24] =	ssyncadd.s32 $0xFFFF9000  }
.LBB2_7:
0x4f: {  	_ =	swait.ge [sflag:s25], $0x7000  }
0x50: {  	[sflag:s25] =	ssyncset.done $0x0  }
0x51: {  	[sflag:s25] =	ssyncadd.s32 $0xFFFF9000  }
.LBB2_8:
0x52: {  	s28 =	simm.s32 $0x0  }
0x53: {  	v2 =	vld [tilespmem:s28+$0x7050]  }
0x54: {  	v3 =	vld [tilespmem:s28+$0x7000]  }
0x55: {  	v4 =	vld [tilespmem:s28+$0x7010]  }
0x56: {  	v0 =	vld [tilespmem:s28+$0x7020]  }
0x57: {  	s29 =	simm.s32 $0x200;
	v1 =	vld [tilespmem:s28+$0x7030]  }
.LBB2_9:
0x58: {  	s12 =	sshra.s32 s29, $0x2;
	p0 =	sne.s32 s29, $0x1BE00;
	s29 =	sadd.s32 $0x200, s29;
	v5 =	vld [tilespmem:s28+$0x7040];
	[tilespmem:s28+$0x15050] =	vst v2  }
.Ltmp6:
0x59: {  	v2 =	vld [tilespmem:s12+$0x7050];
	[tilespmem:s28+$0x15000] =	vst v3;
	(pc) =	sbr.rel @p0 .LBB2_9-.Ltmp6, $4  }
0x5a: {  	v3 =	vld [tilespmem:s12+$0x7000];
	[tilespmem:s28+$0x15010] =	vst v4  }
0x5b: {  	v4 =	vld [tilespmem:s12+$0x7010];
	[tilespmem:s28+$0x15020] =	vst v0  }
0x5c: {  	v0 =	vld [tilespmem:s12+$0x7020];
	[tilespmem:s28+$0x15030] =	vst v1  }
0x5d: {  	v1 =	vld [tilespmem:s12+$0x7030];
	[tilespmem:s28+$0x15040] =	vst v5;
	s28 =	smov.u32 s12  }
0x5e: {  	v5 =	vld [tilespmem:s28+$0x7040];
	[tilespmem:s28+$0x15050] =	vst v2  }
0x5f: {  	p0 =	seq.s32 s15, $0x1B;
	[tilespmem:s28+$0x15000] =	vst v3  }
.Ltmp7:
0x60: {  	s12 =	sadd.s32 s31, s13;
	[tilespmem:s28+$0x15010] =	vst v4;
	(pc) =	sbr.rel @p0 .LBB2_12-.Ltmp7, $4  }
0x61: {  	s12 =	smul.u32 $0xE00, s12;
	[tilespmem:s28+$0x15020] =	vst v0  }
0x62: {  	[tilespmem:s28+$0x15030] =	vst v1  }
0x63: {  	s12 =	sadd.s32 s7, s12;
	[tilespmem:s28+$0x15040] =	vst v5  }
0x64: {  	[hbm4b:s12+s3] =	stream.linear.scatter [tilespmem:s26], [sflag:$0x4], $0x7000, $0x38;
	[tilespmem:$0x1C200] =	vst v63  }
0x65: {  	s12 =	sadd.s32 s31, s14  }
0x66: {  	s12 =	smul.u32 $0x7000, s12  }
.Ltmp8:
0x67: {  	_ = 	snop;
	(pc) =	sbr.rel .LBB2_2-.Ltmp8, $4  }
0x68: {  	s12 =	sadd.s32 s4, s12  }
0x69: {  	s12 =	sshrl.u32 s12, $0x3  }
0x6a: {  	s15 =	sadd.s32 $0x1, s15;
	s12 =	sadd.s32 s5, s12  }
0x6b: {  	[tilespmem:s21], [sflag:$0x2] =	stream.linear.gather [hbm4b:s12+s3], $0x7000, $0x38;
	[tilespmem:$0x1C200] =	vst v63  }
.LBB2_12:
0x6c: {  	s12 =	simm.s32 $0x3  }
0x6d: {  	_ =	swait.ge [sflag:s12], $0x7000  }
0x6e: {  	[sflag:s12] =	ssyncset.done $0x0  }
0x6f: {  	[sflag:s12] =	ssyncadd.s32 $0xFFFF9000  }
0x70: {  	_ =	swait.ge [sflag:s25], $0x7000  }
0x71: {  	[sflag:s25] =	ssyncset.done $0x0  }
0x72: {  	[sflag:s25] =	ssyncadd.s32 $0xFFFF9000  }
0x73: {  	[bflag:$0x0] =	sbarrier.arrive $0xFFFF  }
0x74: {  	s15 =	simm.s32 $0x0;
	s28 =	simm.s32 $0x1C000;
	s31 =	rddreg [dreg:$0x6]  }
0x75: {  	[tilespmem:s28], [sflag:$0x7] =	stream.linear.gather [hbm4b:s31+s15], $0x100, $0x38;
	[tilespmem:$0x1C200] =	vst v63  }
0x76: {  	s29 =	rddreg [dreg:$0x7];
	s31 =	simm.s32 $0x7  }
0x77: {  	[tilespmem:s30], [sflag:$0x8] =	stream.linear.gather [hbm4b:s29+s15], $0x100, $0x38;
	[tilespmem:$0x1C200] =	vst v63  }
0x78: {  	_ =	swait.ge [sflag:s31], $0x100  }
0x79: {  	[sflag:s31] =	ssyncset.done $0x0  }
0x7a: {  	[sflag:s31] =	ssyncadd.s32 $0xFFFFFF00  }
0x7b: {  	[tilespmem:s23], [sflag:$0x5] =	stream.indirect.gather [hbm4b:s7+s0], $0x80, s28, s0, $0xb8;
	[tilespmem:$0x1C200] =	vst v63  }
0x7c: {  	s29 =	simm.s32 $0x1C080;
	s31 =	simm.s32 $0x11800  }
0x7d: {  	[tilespmem:s31], [sflag:$0x5] =	stream.indirect.gather [hbm4b:s7+s0], $0x80, s29, s0, $0xb8;
	[tilespmem:$0x1C200] =	vst v63  }
.LBB2_13:
0x7e: {  	_ =	swait.ge [sflag:s1], $0x100  }
0x7f: {  	[sflag:s1] =	ssyncset.done $0x0  }
0x80: {  	[sflag:s1] =	ssyncadd.s32 $0xFFFFFF00  }
0x81: {  	[tilespmem:s26], [sflag:$0x6] =	stream.indirect.gather [hbm4b:s7+s0], $0x80, s30, s0, $0xb8;
	[tilespmem:$0x1C200] =	vst v63  }
0x82: {  	_ = 	snop  }
0x83: {  	[tilespmem:s10], [sflag:$0x6] =	stream.indirect.gather [hbm4b:s7+s0], $0x80, s9, s0, $0xb8;
	[tilespmem:$0x1C200] =	vst v63  }
0x84: {  	_ =	swait.ge [sflag:s16], $0x3800  }
0x85: {  	[sflag:s16] =	ssyncset.done $0x0  }
0x86: {  	[sflag:s16] =	ssyncadd.s32 $0xFFFFC800  }
0x87: {  	_ =	swait.ge [sflag:s16], $0x3800  }
0x88: {  	p0 =	seq.s32 s15, $0x0;
	[sflag:s16] =	ssyncset.done $0x0  }
0x89: {  	s12 =	simm.s32 @!p0 $0x3;
	[sflag:s16] =	ssyncadd.s32 $0xFFFFC800  }
0x8a: {  	_ =	swait.ge @!p0 [sflag:s12], $0x7000  }
0x8b: {  	[sflag:s12] =	ssyncset.done @!p0 $0x0  }
0x8c: {  	s28 =	simm.s32 $0x0;
	[sflag:s12] =	ssyncadd.s32 @!p0 $0xFFFF9000  }
0x8d: {  	v4 =	vld [tilespmem:s28+$0xE050]  }
0x8e: {  	v2 =	vld [tilespmem:s28+$0xE000]  }
0x8f: {  	v0 =	vld [tilespmem:s28+$0xE010]  }
0x90: {  	v1 =	vld [tilespmem:s28+$0xE020]  }
0x91: {  	s31 =	sshll.u32 s15, $0x1;
	s29 =	simm.s32 $0x200;
	v3 =	vld [tilespmem:s28+$0xE030]  }
.LBB2_14:
0x92: {  	s12 =	sshra.s32 s29, $0x2;
	p1 =	sne.s32 s29, $0x1BE00;
	s29 =	sadd.s32 $0x200, s29;
	v5 =	vld [tilespmem:s28+$0xE040];
	[tilespmem:s28+$0x50] =	vst v4  }
.Ltmp9:
0x93: {  	v4 =	vld [tilespmem:s12+$0xE050];
	[tilespmem:s28+$0x0] =	vst v2;
	(pc) =	sbr.rel @p1 .LBB2_14-.Ltmp9, $4  }
0x94: {  	v2 =	vld [tilespmem:s12+$0xE000];
	[tilespmem:s28+$0x10] =	vst v0  }
0x95: {  	v0 =	vld [tilespmem:s12+$0xE010];
	[tilespmem:s28+$0x20] =	vst v1  }
0x96: {  	v1 =	vld [tilespmem:s12+$0xE020];
	[tilespmem:s28+$0x30] =	vst v3  }
0x97: {  	v3 =	vld [tilespmem:s12+$0xE030];
	[tilespmem:s28+$0x40] =	vst v5;
	s28 =	smov.u32 s12  }
0x98: {  	v5 =	vld [tilespmem:s28+$0xE040];
	[tilespmem:s28+$0x50] =	vst v4;
	s12 =	sadd.s32 s8, s31  }
0x99: {  	[tilespmem:s28+$0x0] =	vst v2;
	s12 =	smul.u32 $0x7000, s12  }
0x9a: {  	[tilespmem:s28+$0x10] =	vst v0  }
0x9b: {  	[tilespmem:s28+$0x20] =	vst v1;
	s12 =	sadd.s32 s4, s12  }
0x9c: {  	[tilespmem:s28+$0x30] =	vst v3;
	s12 =	sshrl.u32 s12, $0x3  }
0x9d: {  	p1 =	seq.s32 s15, $0x1B;
	[tilespmem:s28+$0x40] =	vst v5;
	s12 =	sadd.s32 s6, s12  }
0x9e: {  	[hbm4b:s12+s3] =	stream.linear.scatter [tilespmem:s3], [sflag:$0x3], $0x7000, $0x38;
	[tilespmem:$0x1C200] =	vst v63  }
0x9f: {  	s12 =	sshll.u32 @!p1 s15, $0x9  }
0xa0: {  	s12 =	sadd.s32 @!p1 s12, s17  }
0xa1: {  	s12 =	sshrl.u32 @!p1 s12, $0x3  }
0xa2: {  	s29 =	simm.s32 @!p1 $0x1C000;
	s28 =	simm.s32 @!p1 $0x0;
	s12 =	sadd.s32 @!p1 s2, s12  }
0xa3: {  	[tilespmem:s29], [sflag:$0x7] =	stream.linear.gather @!p1 [hbm4b:s12+s28], $0x100, $0x38;
	[tilespmem:$0x1C200] =	vst v63  }
0xa4: {  	s12 =	simm.s32 @!p1 $0x7  }
0xa5: {  	_ =	swait.ge @!p1 [sflag:s12], $0x100  }
0xa6: {  	[sflag:s12] =	ssyncset.done @!p1 $0x0  }
0xa7: {  	s28 =	simm.s32 @!p1 $0xE000;
	[sflag:s12] =	ssyncadd.s32 @!p1 $0xFFFFFF00;
	s12 =	simm.s32 @!p1 $0x70  }
0xa8: {  	[tilespmem:s28], [sflag:$0x5] =	stream.indirect.gather @!p1 [hbm4b:s7+s12], $0x80, s29, s12, $0xb8;
	[tilespmem:$0x1C200] =	vst v63  }
0xa9: {  	s28 =	simm.s32 @!p1 $0x1C080;
	s29 =	simm.s32 @!p1 $0x11800  }
0xaa: {  	[tilespmem:s29], [sflag:$0x5] =	stream.indirect.gather @!p1 [hbm4b:s7+s12], $0x80, s28, s12, $0xb8;
	[tilespmem:$0x1C200] =	vst v63  }
0xab: {  	_ =	swait.ge [sflag:s20], $0x3800  }
0xac: {  	[sflag:s20] =	ssyncset.done $0x0  }
0xad: {  	[sflag:s20] =	ssyncadd.s32 $0xFFFFC800  }
0xae: {  	_ =	swait.ge [sflag:s20], $0x3800  }
0xaf: {  	[sflag:s20] =	ssyncset.done $0x0  }
0xb0: {  	s12 =	simm.s32 @!p0 $0x4;
	[sflag:s20] =	ssyncadd.s32 $0xFFFFC800  }
0xb1: {  	_ =	swait.ge @!p0 [sflag:s12], $0x7000  }
0xb2: {  	[sflag:s12] =	ssyncset.done @!p0 $0x0  }
0xb3: {  	s28 =	simm.s32 $0x0;
	[sflag:s12] =	ssyncadd.s32 @!p0 $0xFFFF9000  }
0xb4: {  	v4 =	vld [tilespmem:s28+$0x15050]  }
0xb5: {  	v3 =	vld [tilespmem:s28+$0x15000]  }
0xb6: {  	v0 =	vld [tilespmem:s28+$0x15010]  }
0xb7: {  	v1 =	vld [tilespmem:s28+$0x15020]  }
0xb8: {  	s29 =	simm.s32 $0x200;
	v2 =	vld [tilespmem:s28+$0x15030]  }
.LBB2_16:
0xb9: {  	s12 =	sshra.s32 s29, $0x2;
	p0 =	sne.s32 s29, $0x1BE00;
	s29 =	sadd.s32 $0x200, s29;
	v5 =	vld [tilespmem:s28+$0x15040];
	[tilespmem:s28+$0x7050] =	vst v4  }
.Ltmp10:
0xba: {  	v4 =	vld [tilespmem:s12+$0x15050];
	[tilespmem:s28+$0x7000] =	vst v3;
	(pc) =	sbr.rel @p0 .LBB2_16-.Ltmp10, $4  }
0xbb: {  	v3 =	vld [tilespmem:s12+$0x15000];
	[tilespmem:s28+$0x7010] =	vst v0  }
0xbc: {  	v0 =	vld [tilespmem:s12+$0x15010];
	[tilespmem:s28+$0x7020] =	vst v1  }
0xbd: {  	v1 =	vld [tilespmem:s12+$0x15020];
	[tilespmem:s28+$0x7030] =	vst v2  }
0xbe: {  	v2 =	vld [tilespmem:s12+$0x15030];
	[tilespmem:s28+$0x7040] =	vst v5;
	s28 =	smov.u32 s12  }
0xbf: {  	v5 =	vld [tilespmem:s28+$0x15040];
	[tilespmem:s28+$0x7050] =	vst v4;
	s12 =	sadd.s32 s31, s18  }
0xc0: {  	[tilespmem:s28+$0x7000] =	vst v3;
	s12 =	smul.u32 $0x7000, s12  }
.Ltmp11:
0xc1: {  	[tilespmem:s28+$0x7010] =	vst v0;
	(pc) =	sbr.rel @p1 .LBB2_19-.Ltmp11, $4  }
0xc2: {  	[tilespmem:s28+$0x7020] =	vst v1;
	s12 =	sadd.s32 s4, s12  }
0xc3: {  	[tilespmem:s28+$0x7030] =	vst v2;
	s12 =	sshrl.u32 s12, $0x3  }
0xc4: {  	[tilespmem:s28+$0x7040] =	vst v5;
	s12 =	sadd.s32 s6, s12  }
0xc5: {  	[hbm4b:s12+s3] =	stream.linear.scatter [tilespmem:s21], [sflag:$0x4], $0x7000, $0x38;
	[tilespmem:$0x1C200] =	vst v63  }
.Ltmp12:
0xc6: {  	s12 =	sshll.u32 s15, $0x9;
	(pc) =	sbr.rel .LBB2_13-.Ltmp12, $4  }
0xc7: {  	s12 =	sadd.s32 s12, s19  }
0xc8: {  	s12 =	sshrl.u32 s12, $0x3  }
0xc9: {  	s15 =	sadd.s32 $0x1, s15;
	s12 =	sadd.s32 s2, s12  }
0xca: {  	[tilespmem:s30], [sflag:$0x8] =	stream.linear.gather [hbm4b:s12+s3], $0x100, $0x38;
	[tilespmem:$0x1C200] =	vst v63  }
.LBB2_20:
0xcb: {  	_ =	sfence.sel $0x180000  }
0xcc: {  	[bflag:$0x0] =	sbarrier.arrive $0xFFFF  }
0xcd: {  	_ =	strace $0x90000047  }
0xce: {  	s0 =	stileid.u32;
	[bflag:$0x2] =	sbarrier.arrive $0xFFFF  }
0xcf: {  	p0 =	sne.s32 s0, $0x0;
	s0 =	rddreg [dreg:$0x2]  }
0xd0: {  	s0 =	sadd.s32 @!p0 $0x100000, s0  }
0xd1: {  	[sflag:s0] =	ssyncadd.tile.s32 @!p0 $0x1;
	_ =	shalt  }
.Lfunc_end2:
_tile_overlayer_lowered:
.L_overlay_start_2:
0xd2: {  	(tag) =	ssettag $0x2  }
0xd3: {  	s0 =	rddreg [dreg:$0x0];
	s2 =	stileid.u32  }
0xd4: {  	s1 =	rddreg [dreg:$0x1];
	p0 =	sne.s32 s2, $0x0  }
0xd5: {  	s3 =	rddreg [dreg:$0x2];
	[bflag:$0x3] =	sbarrier.arrive $0xFFFF;
	s2 =	simm.s32 @!p0 $0x1C09  }
0xd6: {  	[timem:s3], [sflag:s2] =	dma.local @!p0 [hbm:s0], s1  }
0xd7: {  	s0 =	simm.s32 @!p0 $0x9  }
0xd8: {  	_ =	swait.ge @!p0 [sflag:s0], s1  }
0xd9: {  	s1 =	ssub.s32 @!p0 $0x0, s1;
	[sflag:s0] =	ssyncset.done @!p0 $0x0  }
0xda: {  	[sflag:s0] =	ssyncadd.s32 @!p0 s1  }
0xdb: {  	[bflag:$0x3] =	sbarrier.arrive $0xFFFF  }
0xdc: {  	_ =	shalt  }

</sc_bundles>
